<compile_context>
chip_gen: v7x
topology: tpu7x:2x2x1
jax: 0.10.2.dev20260603
libtpu: 0.0.44.dev20260713+nightly
codegen_flags: <defaults>
</compile_context>

<pallas_src>
import functools

import jax
import jax.numpy as jnp
from jax import lax
from jax.experimental import pallas as pl
from jax.experimental.pallas import tpu as pltpu
from jax.experimental.pallas import tpu_sc as plsc

N = 10000
NP = 10240
E = 320000
F = 128
NC = 2
NS = 16
CH = 128
EP = 327680
NCH = EP // NS // CH
NB = 3
WH = 4
HALF = NP // 2
HPT = HALF // NS

_mesh = plsc.VectorSubcoreMesh(
    core_axis_name="c", subcore_axis_name="s", num_cores=NC, num_subcores=NS
)




@functools.partial(
    pl.kernel,
    out_type=jax.ShapeDtypeStruct((NP, F), jnp.float32),
    mesh=_mesh,
    scratch_types=[
        pltpu.VMEM((NCH, CH), jnp.int32),
        pltpu.VMEM((CH, F), jnp.float32),
        pltpu.VMEM_SHARED((HALF, F), jnp.float32),
        pltpu.SemaphoreType.DMA,
    ],
)
def _sc_degree(dst_hbm, ones_hbm, zero_hbm, degp_hbm, dv, ones_v, acc, ssem):
    c = lax.axis_index("c")
    s = lax.axis_index("s")

    pltpu.sync_copy(ones_hbm, ones_v)
    pltpu.sync_copy(zero_hbm, acc.at[pl.ds(s * HPT, HPT)])
    plsc.subcore_barrier()

    pltpu.sync_copy(dst_hbm.at[c, s], dv)

    def s_start(j):
        pltpu.async_copy(
            ones_v, acc.at[plsc.Indices(dv.at[j], ignored_value=-1)], ssem,
            add=True,
        )

    def s_wait(j):
        pltpu.make_async_copy(
            ones_v, acc.at[plsc.Indices(dv.at[j], ignored_value=-1)], ssem
        ).wait()

    for j in range(WH):
        s_start(j)

    def chunk(j, _):
        s_wait(j - WH)
        s_start(j)
        return _

    lax.fori_loop(WH, NCH, chunk, None)
    for b in range(WH):
        s_wait(NCH - WH + b)
    plsc.subcore_barrier()
    pltpu.sync_copy(
        acc.at[pl.ds(s * HPT, HPT)],
        degp_hbm.at[pl.ds(c * HALF + s * HPT, HPT)],
    )


@functools.partial(
    pl.kernel,
    out_type=jax.ShapeDtypeStruct((NP, F), jnp.float32),
    mesh=_mesh,
    scratch_types=[
        pltpu.VMEM((NCH, CH), jnp.int32),
        pltpu.VMEM((NCH, CH), jnp.int32),
        pltpu.VMEM((NB, CH, F), jnp.float32),
        pltpu.VMEM_SHARED((HALF, F), jnp.float32),
        pltpu.SemaphoreType.DMA((NB,)),
        pltpu.SemaphoreType.DMA((NB,)),
    ],
)
def _sc_agg_wide(p1_hbm, src_hbm, dst_hbm, agg_hbm, sv, dv, rows, acc, gs, ss):
    c = lax.axis_index("c")
    s = lax.axis_index("s")

    pltpu.sync_copy(
        p1_hbm.at[pl.ds(c * HALF + s * HPT, HPT)], acc.at[pl.ds(s * HPT, HPT)]
    )
    plsc.subcore_barrier()

    pltpu.sync_copy(src_hbm.at[c, s], sv)
    pltpu.sync_copy(dst_hbm.at[c, s], dv)

    def g_start(j, b):
        pltpu.async_copy(
            p1_hbm.at[plsc.Indices(sv.at[j], ignored_value=-1)], rows.at[b],
            gs.at[b],
        )

    def g_wait(j, b):
        pltpu.make_async_copy(
            p1_hbm.at[plsc.Indices(sv.at[j], ignored_value=-1)], rows.at[b],
            gs.at[b],
        ).wait()

    def s_start(j, b):
        pltpu.async_copy(
            rows.at[b], acc.at[plsc.Indices(dv.at[j], ignored_value=-1)],
            ss.at[b], add=True,
        )

    def s_wait(j, b):
        pltpu.make_async_copy(
            rows.at[b], acc.at[plsc.Indices(dv.at[j], ignored_value=-1)],
            ss.at[b],
        ).wait()

    def prologue(j, _):
        g_start(j, j)
        return _

    lax.fori_loop(0, NB, prologue, None)

    def main(j, _):
        b = lax.rem(j, NB)
        g_wait(j, b)
        s_start(j, b)
        s_wait(j, b)
        g_start(j + NB, b)
        return _

    lax.fori_loop(0, NCH - NB, main, None)

    def tail(j, _):
        b = lax.rem(j, NB)
        g_wait(j, b)
        s_start(j, b)
        s_wait(j, b)
        return _

    lax.fori_loop(NCH - NB, NCH, tail, None)
    plsc.subcore_barrier()
    pltpu.sync_copy(
        acc.at[pl.ds(s * HPT, HPT)],
        agg_hbm.at[pl.ds(c * HALF + s * HPT, HPT)],
    )



_BN = 1024


def _dis_block(degp_ref):
    return lax.rsqrt(degp_ref[:, 0:1] + 1.0)


def _tc1_body(x_ref, w1_ref, degp_ref, out_ref):
    dis = _dis_block(degp_ref)
    h = jnp.dot(x_ref[...], w1_ref[...], preferred_element_type=jnp.float32)
    out_ref[...] = h * dis


def _tc1(x, w1, degp):
    return pl.pallas_call(
        _tc1_body,
        grid=(NP // _BN,),
        in_specs=[
            pl.BlockSpec((_BN, F), lambda i: (i, 0)),
            pl.BlockSpec((F, F), lambda i: (0, 0)),
            pl.BlockSpec((_BN, F), lambda i: (i, 0)),
        ],
        out_specs=pl.BlockSpec((_BN, F), lambda i: (i, 0)),
        out_shape=jax.ShapeDtypeStruct((NP, F), jnp.float32),
    )(x, w1, degp)


def _tc2_body(agg_ref, degp_ref, b1_ref, w2_ref, out_ref):
    dis = _dis_block(degp_ref)
    h1 = jnp.maximum(dis * agg_ref[...] + b1_ref[0:1, :], 0.0)
    g = jnp.dot(h1, w2_ref[...], preferred_element_type=jnp.float32)
    out_ref[...] = dis * g


def _tc2(agg1, degp, b1, w2p):
    return pl.pallas_call(
        _tc2_body,
        grid=(NP // _BN,),
        in_specs=[
            pl.BlockSpec((_BN, F), lambda i: (i, 0)),
            pl.BlockSpec((_BN, F), lambda i: (i, 0)),
            pl.BlockSpec((1, F), lambda i: (0, 0)),
            pl.BlockSpec((F, F), lambda i: (0, 0)),
        ],
        out_specs=pl.BlockSpec((_BN, F), lambda i: (i, 0)),
        out_shape=jax.ShapeDtypeStruct((NP, F), jnp.float32),
    )(agg1, degp, b1, w2p)


def _tc3_body(agg_ref, degp_ref, b2_ref, out_ref):
    dis = _dis_block(degp_ref)
    out_ref[...] = dis * agg_ref[...] + b2_ref[0:1, :]


def _tc3(agg2, degp, b2p):
    return pl.pallas_call(
        _tc3_body,
        grid=(NP // _BN,),
        in_specs=[
            pl.BlockSpec((_BN, F), lambda i: (i, 0)),
            pl.BlockSpec((_BN, F), lambda i: (i, 0)),
            pl.BlockSpec((1, F), lambda i: (0, 0)),
        ],
        out_specs=pl.BlockSpec((_BN, F), lambda i: (i, 0)),
        out_shape=jax.ShapeDtypeStruct((NP, F), jnp.float32),
    )(agg2, degp, b2p)




def kernel(x, edge_index, W1, b1, W2, b2):
    src = edge_index[0].astype(jnp.int32)
    dst = edge_index[1].astype(jnp.int32)

    own0 = dst < HALF
    pad = jnp.full((EP - E,), -1, jnp.int32)

    def shard(idx):
        return jnp.concatenate([idx, pad]).reshape(NS, NCH, CH)

    src_sc = jnp.stack([
        shard(jnp.where(own0, src, -1)),
        shard(jnp.where(own0, -1, src)),
    ])
    dst_sc = jnp.stack([
        shard(jnp.where(own0, dst, -1)),
        shard(jnp.where(own0, -1, dst - HALF)),
    ])

    b1r = b1.reshape(1, F)
    w2p = jnp.pad(W2, ((0, 0), (0, F - W2.shape[1])))
    b2p = jnp.pad(b2, (0, F - b2.shape[0])).reshape(1, F)
    xp = jnp.pad(x, ((0, NP - N), (0, 0)))

    ones_c = jnp.ones((CH, F), jnp.float32)
    zero_c = jnp.zeros((HPT, F), jnp.float32)

    degp = _sc_degree(dst_sc, ones_c, zero_c)
    p1 = _tc1(xp, W1, degp)
    agg1 = _sc_agg_wide(p1, src_sc, dst_sc)
    p2 = _tc2(agg1, degp, b1r, w2p)
    agg2 = _sc_agg_wide(p2, src_sc, dst_sc)
    out = _tc3(agg2, degp, b2p)
    return out[:N, : W2.shape[1]]

# --- scband reference (transcript-rebuilt; emitter-appended) ---
"""Pipeline reference for scband-gcn-35476429865194 (READ-ONLY COPY).

The authoritative reference and input builder live on the scoring server;
editing this copy changes nothing except your own understanding.
"""

import jax, jax.numpy as jnp
import numpy as np

N = 10000
E = 320000
F_IN = 128
H = 128
C = 2


def setup_inputs(seed: int = 0) -> dict:
    key = jax.random.key(seed)
    k0, k1, k2, k3 = jax.random.split(key, 4)
    x = jax.random.normal(k0, (N, F_IN), dtype=jnp.float32)
    edge_index = jax.random.randint(k1, (2, E), 0, N, dtype=jnp.int32).astype(jnp.int64)
    W1 = jax.random.normal(k2, (F_IN, H), dtype=jnp.float32) * (1.0 / np.sqrt(F_IN))
    b1 = jnp.zeros((H,), dtype=jnp.float32)
    W2 = jax.random.normal(k3, (H, C), dtype=jnp.float32) * (1.0 / np.sqrt(H))
    b2 = jnp.zeros((C,), dtype=jnp.float32)
    return {"x": x, "edge_index": edge_index, "W1": W1, "b1": b1, "W2": W2, "b2": b2}


def _gcn_conv(x, edge_index, W, b):
    # Faithful GCNConv: add self-loops, symmetric normalization, linear transform,
    # message = norm * h[src], scatter-add to dst, then bias.
    src = edge_index[0]
    dst = edge_index[1]
    loop = jnp.arange(N, dtype=edge_index.dtype)
    src = jnp.concatenate([src, loop])
    dst = jnp.concatenate([dst, loop])
    deg = jnp.zeros((N,), dtype=jnp.float32).at[dst].add(1.0)
    deg_inv_sqrt = jnp.where(deg > 0, 1.0 / jnp.sqrt(deg), 0.0)
    norm = deg_inv_sqrt[src] * deg_inv_sqrt[dst]
    h = x @ W
    msg = h[src] * norm[:, None]
    out = jnp.zeros((N, W.shape[1]), dtype=jnp.float32).at[dst].add(msg)
    return out + b


def reference(x, edge_index, W1, b1, W2, b2):
    h = jax.nn.relu(_gcn_conv(x, edge_index, W1, b1))
    # dropout p=0 (and eval mode) -> identity
    out = _gcn_conv(h, edge_index, W2, b2)
    return out

if __name__ == "__main__":
    import jax
    _d = setup_inputs()
    print(jax.jit(kernel)(*tuple(_d.values())))

</pallas_src>

<mosaic_0001>
#map = affine_map<(d0, d1) -> (0, 0, 0, 0)>
#map1 = affine_map<(d0, d1) -> (0, 0)>
module attributes {stable_mosaic.version = 14 : i64} {
  func.func @_sc_degree(%arg0: i32, %arg1: i32, %arg2: memref<2x16x160x128xi32, #tpu.memory_space<hbm>>, %arg3: memref<128x128xf32, #tpu.memory_space<hbm>>, %arg4: memref<320x128xf32, #tpu.memory_space<hbm>>, %arg5: memref<10240x128xf32, #tpu.memory_space<hbm>>, %arg6: memref<160x128xi32, #tpu.memory_space<vmem>>, %arg7: memref<128x128xf32, #tpu.memory_space<vmem>>, %arg8: memref<5120x128xf32, #tpu.memory_space<vmem_shared>>, %arg9: memref<!tpu.dma_semaphore, #tpu.memory_space<semaphore_mem>>) attributes {dimension_semantics = [#tpu.dimension_semantics<core_parallel>, #tpu.dimension_semantics<subcore_parallel>], iteration_bounds = array<i64: 2, 16>, scalar_prefetch = 0 : i64, scratch_operands = 4 : i64, tpu.core_type = #tpu.core_type<sc_vector_subcore>, window_params = [{transform_indices = #map}, {transform_indices = #map1}, {transform_indices = #map1}, {transform_indices = #map1}]} {
    "tpu.region"() ({
      %run_scoped3A = tpu.sem_alloc : memref<!tpu.dma_semaphore, #tpu.memory_space<semaphore_mem>>
      tpu.enqueue_dma source(%arg3 : memref<128x128xf32, #tpu.memory_space<hbm>>) target(%arg7 : memref<128x128xf32, #tpu.memory_space<vmem>>) target_semaphore(%run_scoped3A : memref<!tpu.dma_semaphore, #tpu.memory_space<semaphore_mem>>)
      tpu.wait_dma2 semaphore(%run_scoped3A : memref<!tpu.dma_semaphore, #tpu.memory_space<semaphore_mem>>) src(%arg3 : memref<128x128xf32, #tpu.memory_space<hbm>>) dst(%arg7 : memref<128x128xf32, #tpu.memory_space<vmem>>)
      tpu.yield
    }) : () -> ()
    %mul3A = arith.constant 320 : i32
    %mul3A_0 = arith.muli %arg1, %mul3A : i32
    "tpu.region"() ({
      %run_scoped3A = tpu.sem_alloc : memref<!tpu.dma_semaphore, #tpu.memory_space<semaphore_mem>>
      %dma_start3A_70 = arith.constant 0 : i32
      %dma_start3A_71 = tpu.memref_slice %arg8[%mul3A_0, %dma_start3A_70] : memref<5120x128xf32, #tpu.memory_space<vmem_shared>> -> memref<320x128xf32, #tpu.memory_space<vmem_shared>>
      tpu.enqueue_dma source(%arg4 : memref<320x128xf32, #tpu.memory_space<hbm>>) target(%dma_start3A_71 : memref<320x128xf32, #tpu.memory_space<vmem_shared>>) target_semaphore(%run_scoped3A : memref<!tpu.dma_semaphore, #tpu.memory_space<semaphore_mem>>)
      %dma_wait3A_72 = arith.constant 0 : i32
      %dma_wait3A_73 = tpu.memref_slice %arg8[%mul3A_0, %dma_wait3A_72] : memref<5120x128xf32, #tpu.memory_space<vmem_shared>> -> memref<320x128xf32, #tpu.memory_space<vmem_shared>>
      tpu.wait_dma2 semaphore(%run_scoped3A : memref<!tpu.dma_semaphore, #tpu.memory_space<semaphore_mem>>) src(%arg4 : memref<320x128xf32, #tpu.memory_space<hbm>>) dst(%dma_wait3A_73 : memref<320x128xf32, #tpu.memory_space<vmem_shared>>)
      tpu.yield
    }) : () -> ()
    %barrier3A = arith.constant 0 : index
    tpu.barrier barrier_id(%barrier3A)
    "tpu.region"() ({
      %run_scoped3A = tpu.sem_alloc : memref<!tpu.dma_semaphore, #tpu.memory_space<semaphore_mem>>
      %dma_start3A_70 = arith.constant 0 : i32
      %dma_start3A_71 = arith.constant 0 : i32
      %dma_start3A_72 = tpu.memref_slice %arg2[%arg0, %arg1, %dma_start3A_70, %dma_start3A_71] : memref<2x16x160x128xi32, #tpu.memory_space<hbm>> -> memref<1x1x160x128xi32, #tpu.memory_space<hbm>>
      %dma_start3A_73 = tpu.memref_squeeze %dma_start3A_72 : memref<1x1x160x128xi32, #tpu.memory_space<hbm>> -> memref<160x128xi32, #tpu.memory_space<hbm>>
      %dma_start3A_74 = arith.constant 0 : i32
      %dma_start3A_75 = arith.constant 0 : i32
      %dma_start3A_76 = tpu.memref_slice %arg2[%arg0, %arg1, %dma_start3A_74, %dma_start3A_75] : memref<2x16x160x128xi32, #tpu.memory_space<hbm>> -> memref<1x1x160x128xi32, #tpu.memory_space<hbm>>
      %dma_start3A_77 = tpu.memref_squeeze %dma_start3A_76 : memref<1x1x160x128xi32, #tpu.memory_space<hbm>> -> memref<160x128xi32, #tpu.memory_space<hbm>>
      tpu.enqueue_dma source(%dma_start3A_77 : memref<160x128xi32, #tpu.memory_space<hbm>>) target(%arg6 : memref<160x128xi32, #tpu.memory_space<vmem>>) target_semaphore(%run_scoped3A : memref<!tpu.dma_semaphore, #tpu.memory_space<semaphore_mem>>)
      %dma_wait3A_78 = arith.constant 0 : i32
      %dma_wait3A_79 = arith.constant 0 : i32
      %dma_wait3A_80 = tpu.memref_slice %arg2[%arg0, %arg1, %dma_wait3A_78, %dma_wait3A_79] : memref<2x16x160x128xi32, #tpu.memory_space<hbm>> -> memref<1x1x160x128xi32, #tpu.memory_space<hbm>>
      %dma_wait3A_81 = tpu.memref_squeeze %dma_wait3A_80 : memref<1x1x160x128xi32, #tpu.memory_space<hbm>> -> memref<160x128xi32, #tpu.memory_space<hbm>>
      %dma_wait3A_82 = arith.constant 0 : i32
      %dma_wait3A_83 = arith.constant 0 : i32
      %dma_wait3A_84 = tpu.memref_slice %arg2[%arg0, %arg1, %dma_wait3A_82, %dma_wait3A_83] : memref<2x16x160x128xi32, #tpu.memory_space<hbm>> -> memref<1x1x160x128xi32, #tpu.memory_space<hbm>>
      %dma_wait3A_85 = tpu.memref_squeeze %dma_wait3A_84 : memref<1x1x160x128xi32, #tpu.memory_space<hbm>> -> memref<160x128xi32, #tpu.memory_space<hbm>>
      tpu.wait_dma2 semaphore(%run_scoped3A : memref<!tpu.dma_semaphore, #tpu.memory_space<semaphore_mem>>) src(%dma_wait3A_85 : memref<160x128xi32, #tpu.memory_space<hbm>>) dst(%arg6 : memref<160x128xi32, #tpu.memory_space<vmem>>)
      tpu.yield
    }) : () -> ()
    %dma_start3A = arith.constant 0 : i32
    %dma_start3A_1 = arith.constant 0 : i32
    %dma_start3A_2 = tpu.memref_slice %arg6[%dma_start3A, %dma_start3A_1] : memref<160x128xi32, #tpu.memory_space<vmem>> -> memref<1x128xi32, #tpu.memory_space<vmem>>
    %dma_start3A_3 = tpu.memref_squeeze %dma_start3A_2 : memref<1x128xi32, #tpu.memory_space<vmem>> -> memref<128xi32, #tpu.memory_space<vmem>>
    %dma_start3A_4 = arith.constant 0 : i32
    %dma_start3A_5 = arith.constant 0 : i32
    %dma_start3A_6 = tpu.memref_slice %arg8[%dma_start3A_4, %dma_start3A_5] : memref<5120x128xf32, #tpu.memory_space<vmem_shared>> -> memref<5120x128xf32, #tpu.memory_space<vmem_shared>>
    %dma_start3A_7 = arith.constant -1 : i32
    tpu.enqueue_indirect_dma source(%arg7 : memref<128x128xf32, #tpu.memory_space<vmem>>) target(%dma_start3A_6 : memref<5120x128xf32, #tpu.memory_space<vmem_shared>>) offsets(%dma_start3A_3 : memref<128xi32, #tpu.memory_space<vmem>>) offset_filter(%dma_start3A_7) semaphore(%arg9 : memref<!tpu.dma_semaphore, #tpu.memory_space<semaphore_mem>>) {add = true}
    %dma_start3A_8 = arith.constant 1 : i32
    %dma_start3A_9 = arith.constant 0 : i32
    %dma_start3A_10 = tpu.memref_slice %arg6[%dma_start3A_8, %dma_start3A_9] : memref<160x128xi32, #tpu.memory_space<vmem>> -> memref<1x128xi32, #tpu.memory_space<vmem>>
    %dma_start3A_11 = tpu.memref_squeeze %dma_start3A_10 : memref<1x128xi32, #tpu.memory_space<vmem>> -> memref<128xi32, #tpu.memory_space<vmem>>
    %dma_start3A_12 = arith.constant 0 : i32
    %dma_start3A_13 = arith.constant 0 : i32
    %dma_start3A_14 = tpu.memref_slice %arg8[%dma_start3A_12, %dma_start3A_13] : memref<5120x128xf32, #tpu.memory_space<vmem_shared>> -> memref<5120x128xf32, #tpu.memory_space<vmem_shared>>
    %dma_start3A_15 = arith.constant -1 : i32
    tpu.enqueue_indirect_dma source(%arg7 : memref<128x128xf32, #tpu.memory_space<vmem>>) target(%dma_start3A_14 : memref<5120x128xf32, #tpu.memory_space<vmem_shared>>) offsets(%dma_start3A_11 : memref<128xi32, #tpu.memory_space<vmem>>) offset_filter(%dma_start3A_15) semaphore(%arg9 : memref<!tpu.dma_semaphore, #tpu.memory_space<semaphore_mem>>) {add = true}
    %dma_start3A_16 = arith.constant 2 : i32
    %dma_start3A_17 = arith.constant 0 : i32
    %dma_start3A_18 = tpu.memref_slice %arg6[%dma_start3A_16, %dma_start3A_17] : memref<160x128xi32, #tpu.memory_space<vmem>> -> memref<1x128xi32, #tpu.memory_space<vmem>>
    %dma_start3A_19 = tpu.memref_squeeze %dma_start3A_18 : memref<1x128xi32, #tpu.memory_space<vmem>> -> memref<128xi32, #tpu.memory_space<vmem>>
    %dma_start3A_20 = arith.constant 0 : i32
    %dma_start3A_21 = arith.constant 0 : i32
    %dma_start3A_22 = tpu.memref_slice %arg8[%dma_start3A_20, %dma_start3A_21] : memref<5120x128xf32, #tpu.memory_space<vmem_shared>> -> memref<5120x128xf32, #tpu.memory_space<vmem_shared>>
    %dma_start3A_23 = arith.constant -1 : i32
    tpu.enqueue_indirect_dma source(%arg7 : memref<128x128xf32, #tpu.memory_space<vmem>>) target(%dma_start3A_22 : memref<5120x128xf32, #tpu.memory_space<vmem_shared>>) offsets(%dma_start3A_19 : memref<128xi32, #tpu.memory_space<vmem>>) offset_filter(%dma_start3A_23) semaphore(%arg9 : memref<!tpu.dma_semaphore, #tpu.memory_space<semaphore_mem>>) {add = true}
    %dma_start3A_24 = arith.constant 3 : i32
    %dma_start3A_25 = arith.constant 0 : i32
    %dma_start3A_26 = tpu.memref_slice %arg6[%dma_start3A_24, %dma_start3A_25] : memref<160x128xi32, #tpu.memory_space<vmem>> -> memref<1x128xi32, #tpu.memory_space<vmem>>
    %dma_start3A_27 = tpu.memref_squeeze %dma_start3A_26 : memref<1x128xi32, #tpu.memory_space<vmem>> -> memref<128xi32, #tpu.memory_space<vmem>>
    %dma_start3A_28 = arith.constant 0 : i32
    %dma_start3A_29 = arith.constant 0 : i32
    %dma_start3A_30 = tpu.memref_slice %arg8[%dma_start3A_28, %dma_start3A_29] : memref<5120x128xf32, #tpu.memory_space<vmem_shared>> -> memref<5120x128xf32, #tpu.memory_space<vmem_shared>>
    %dma_start3A_31 = arith.constant -1 : i32
    tpu.enqueue_indirect_dma source(%arg7 : memref<128x128xf32, #tpu.memory_space<vmem>>) target(%dma_start3A_30 : memref<5120x128xf32, #tpu.memory_space<vmem_shared>>) offsets(%dma_start3A_27 : memref<128xi32, #tpu.memory_space<vmem>>) offset_filter(%dma_start3A_31) semaphore(%arg9 : memref<!tpu.dma_semaphore, #tpu.memory_space<semaphore_mem>>) {add = true}
    %scan3A = arith.constant 4 : i32
    %scan3A_32 = arith.constant 156 : i32
    %scan3A_33 = arith.addi %scan3A, %scan3A_32 : i32
    %scan3A_34 = arith.constant 1 : i32
    scf.for %scan3A_70 = %scan3A to %scan3A_33 step %scan3A_34  : i32 {
      %sub3A = arith.constant 4 : i32
      %sub3A_71 = arith.subi %scan3A_70, %sub3A : i32
      %dma_wait3A_72 = arith.constant 0 : i32
      %dma_wait3A_73 = tpu.memref_slice %arg6[%sub3A_71, %dma_wait3A_72] : memref<160x128xi32, #tpu.memory_space<vmem>> -> memref<1x128xi32, #tpu.memory_space<vmem>>
      %dma_wait3A_74 = tpu.memref_squeeze %dma_wait3A_73 : memref<1x128xi32, #tpu.memory_space<vmem>> -> memref<128xi32, #tpu.memory_space<vmem>>
      %dma_wait3A_75 = arith.constant 0 : i32
      %dma_wait3A_76 = arith.constant 0 : i32
      %dma_wait3A_77 = tpu.memref_slice %arg8[%dma_wait3A_75, %dma_wait3A_76] : memref<5120x128xf32, #tpu.memory_space<vmem_shared>> -> memref<5120x128xf32, #tpu.memory_space<vmem_shared>>
      tpu.wait_indirect_dma semaphore(%arg9 : memref<!tpu.dma_semaphore, #tpu.memory_space<semaphore_mem>>) src(%arg7 : memref<128x128xf32, #tpu.memory_space<vmem>>) dst(%dma_wait3A_77 : memref<5120x128xf32, #tpu.memory_space<vmem_shared>>)
      %dma_start3A_78 = arith.constant 0 : i32
      %dma_start3A_79 = tpu.memref_slice %arg6[%scan3A_70, %dma_start3A_78] : memref<160x128xi32, #tpu.memory_space<vmem>> -> memref<1x128xi32, #tpu.memory_space<vmem>>
      %dma_start3A_80 = tpu.memref_squeeze %dma_start3A_79 : memref<1x128xi32, #tpu.memory_space<vmem>> -> memref<128xi32, #tpu.memory_space<vmem>>
      %dma_start3A_81 = arith.constant 0 : i32
      %dma_start3A_82 = arith.constant 0 : i32
      %dma_start3A_83 = tpu.memref_slice %arg8[%dma_start3A_81, %dma_start3A_82] : memref<5120x128xf32, #tpu.memory_space<vmem_shared>> -> memref<5120x128xf32, #tpu.memory_space<vmem_shared>>
      %dma_start3A_84 = arith.constant -1 : i32
      tpu.enqueue_indirect_dma source(%arg7 : memref<128x128xf32, #tpu.memory_space<vmem>>) target(%dma_start3A_83 : memref<5120x128xf32, #tpu.memory_space<vmem_shared>>) offsets(%dma_start3A_80 : memref<128xi32, #tpu.memory_space<vmem>>) offset_filter(%dma_start3A_84) semaphore(%arg9 : memref<!tpu.dma_semaphore, #tpu.memory_space<semaphore_mem>>) {add = true}
    }
    %scan3A_35 = arith.constant 156 : i32
    %dma_wait3A = arith.constant 156 : i32
    %dma_wait3A_36 = arith.constant 0 : i32
    %dma_wait3A_37 = tpu.memref_slice %arg6[%dma_wait3A, %dma_wait3A_36] : memref<160x128xi32, #tpu.memory_space<vmem>> -> memref<1x128xi32, #tpu.memory_space<vmem>>
    %dma_wait3A_38 = tpu.memref_squeeze %dma_wait3A_37 : memref<1x128xi32, #tpu.memory_space<vmem>> -> memref<128xi32, #tpu.memory_space<vmem>>
    %dma_wait3A_39 = arith.constant 0 : i32
    %dma_wait3A_40 = arith.constant 0 : i32
    %dma_wait3A_41 = tpu.memref_slice %arg8[%dma_wait3A_39, %dma_wait3A_40] : memref<5120x128xf32, #tpu.memory_space<vmem_shared>> -> memref<5120x128xf32, #tpu.memory_space<vmem_shared>>
    tpu.wait_indirect_dma semaphore(%arg9 : memref<!tpu.dma_semaphore, #tpu.memory_space<semaphore_mem>>) src(%arg7 : memref<128x128xf32, #tpu.memory_space<vmem>>) dst(%dma_wait3A_41 : memref<5120x128xf32, #tpu.memory_space<vmem_shared>>)
    %dma_wait3A_42 = arith.constant 157 : i32
    %dma_wait3A_43 = arith.constant 0 : i32
    %dma_wait3A_44 = tpu.memref_slice %arg6[%dma_wait3A_42, %dma_wait3A_43] : memref<160x128xi32, #tpu.memory_space<vmem>> -> memref<1x128xi32, #tpu.memory_space<vmem>>
    %dma_wait3A_45 = tpu.memref_squeeze %dma_wait3A_44 : memref<1x128xi32, #tpu.memory_space<vmem>> -> memref<128xi32, #tpu.memory_space<vmem>>
    %dma_wait3A_46 = arith.constant 0 : i32
    %dma_wait3A_47 = arith.constant 0 : i32
    %dma_wait3A_48 = tpu.memref_slice %arg8[%dma_wait3A_46, %dma_wait3A_47] : memref<5120x128xf32, #tpu.memory_space<vmem_shared>> -> memref<5120x128xf32, #tpu.memory_space<vmem_shared>>
    tpu.wait_indirect_dma semaphore(%arg9 : memref<!tpu.dma_semaphore, #tpu.memory_space<semaphore_mem>>) src(%arg7 : memref<128x128xf32, #tpu.memory_space<vmem>>) dst(%dma_wait3A_48 : memref<5120x128xf32, #tpu.memory_space<vmem_shared>>)
    %dma_wait3A_49 = arith.constant 158 : i32
    %dma_wait3A_50 = arith.constant 0 : i32
    %dma_wait3A_51 = tpu.memref_slice %arg6[%dma_wait3A_49, %dma_wait3A_50] : memref<160x128xi32, #tpu.memory_space<vmem>> -> memref<1x128xi32, #tpu.memory_space<vmem>>
    %dma_wait3A_52 = tpu.memref_squeeze %dma_wait3A_51 : memref<1x128xi32, #tpu.memory_space<vmem>> -> memref<128xi32, #tpu.memory_space<vmem>>
    %dma_wait3A_53 = arith.constant 0 : i32
    %dma_wait3A_54 = arith.constant 0 : i32
    %dma_wait3A_55 = tpu.memref_slice %arg8[%dma_wait3A_53, %dma_wait3A_54] : memref<5120x128xf32, #tpu.memory_space<vmem_shared>> -> memref<5120x128xf32, #tpu.memory_space<vmem_shared>>
    tpu.wait_indirect_dma semaphore(%arg9 : memref<!tpu.dma_semaphore, #tpu.memory_space<semaphore_mem>>) src(%arg7 : memref<128x128xf32, #tpu.memory_space<vmem>>) dst(%dma_wait3A_55 : memref<5120x128xf32, #tpu.memory_space<vmem_shared>>)
    %dma_wait3A_56 = arith.constant 159 : i32
    %dma_wait3A_57 = arith.constant 0 : i32
    %dma_wait3A_58 = tpu.memref_slice %arg6[%dma_wait3A_56, %dma_wait3A_57] : memref<160x128xi32, #tpu.memory_space<vmem>> -> memref<1x128xi32, #tpu.memory_space<vmem>>
    %dma_wait3A_59 = tpu.memref_squeeze %dma_wait3A_58 : memref<1x128xi32, #tpu.memory_space<vmem>> -> memref<128xi32, #tpu.memory_space<vmem>>
    %dma_wait3A_60 = arith.constant 0 : i32
    %dma_wait3A_61 = arith.constant 0 : i32
    %dma_wait3A_62 = tpu.memref_slice %arg8[%dma_wait3A_60, %dma_wait3A_61] : memref<5120x128xf32, #tpu.memory_space<vmem_shared>> -> memref<5120x128xf32, #tpu.memory_space<vmem_shared>>
    tpu.wait_indirect_dma semaphore(%arg9 : memref<!tpu.dma_semaphore, #tpu.memory_space<semaphore_mem>>) src(%arg7 : memref<128x128xf32, #tpu.memory_space<vmem>>) dst(%dma_wait3A_62 : memref<5120x128xf32, #tpu.memory_space<vmem_shared>>)
    %barrier3A_63 = arith.constant 0 : index
    tpu.barrier barrier_id(%barrier3A_63)
    %mul3A_64 = arith.constant 320 : i32
    %mul3A_65 = arith.muli %arg1, %mul3A_64 : i32
    %mul3A_66 = arith.constant 5120 : i32
    %mul3A_67 = arith.muli %arg0, %mul3A_66 : i32
    %mul3A_68 = arith.constant 320 : i32
    %mul3A_69 = arith.muli %arg1, %mul3A_68 : i32
    %add3A = arith.addi %mul3A_67, %mul3A_69 : i32
    "tpu.region"() ({
      %run_scoped3A = tpu.sem_alloc : memref<!tpu.dma_semaphore, #tpu.memory_space<semaphore_mem>>
      %dma_start3A_70 = arith.constant 0 : i32
      %dma_start3A_71 = tpu.memref_slice %arg5[%add3A, %dma_start3A_70] : memref<10240x128xf32, #tpu.memory_space<hbm>> -> memref<320x128xf32, #tpu.memory_space<hbm>>
      %dma_start3A_72 = arith.constant 0 : i32
      %dma_start3A_73 = tpu.memref_slice %arg8[%mul3A_65, %dma_start3A_72] : memref<5120x128xf32, #tpu.memory_space<vmem_shared>> -> memref<320x128xf32, #tpu.memory_space<vmem_shared>>
      tpu.enqueue_dma source(%dma_start3A_73 : memref<320x128xf32, #tpu.memory_space<vmem_shared>>) target(%dma_start3A_71 : memref<320x128xf32, #tpu.memory_space<hbm>>) target_semaphore(%run_scoped3A : memref<!tpu.dma_semaphore, #tpu.memory_space<semaphore_mem>>)
      %dma_wait3A_74 = arith.constant 0 : i32
      %dma_wait3A_75 = tpu.memref_slice %arg5[%add3A, %dma_wait3A_74] : memref<10240x128xf32, #tpu.memory_space<hbm>> -> memref<320x128xf32, #tpu.memory_space<hbm>>
      %dma_wait3A_76 = arith.constant 0 : i32
      %dma_wait3A_77 = tpu.memref_slice %arg8[%mul3A_65, %dma_wait3A_76] : memref<5120x128xf32, #tpu.memory_space<vmem_shared>> -> memref<320x128xf32, #tpu.memory_space<vmem_shared>>
      tpu.wait_dma2 semaphore(%run_scoped3A : memref<!tpu.dma_semaphore, #tpu.memory_space<semaphore_mem>>) src(%dma_wait3A_77 : memref<320x128xf32, #tpu.memory_space<vmem_shared>>) dst(%dma_wait3A_75 : memref<320x128xf32, #tpu.memory_space<hbm>>)
      tpu.yield
    }) : () -> ()
    return
  }
}

#map = affine_map<(d0, d1) -> (0, 0)>
#map1 = affine_map<(d0, d1) -> (0, 0, 0, 0)>
module attributes {stable_mosaic.version = 14 : i64} {
  func.func @_sc_agg_wide(%arg0: i32, %arg1: i32, %arg2: memref<10240x128xf32, #tpu.memory_space<hbm>>, %arg3: memref<2x16x160x128xi32, #tpu.memory_space<hbm>>, %arg4: memref<2x16x160x128xi32, #tpu.memory_space<hbm>>, %arg5: memref<10240x128xf32, #tpu.memory_space<hbm>>, %arg6: memref<160x128xi32, #tpu.memory_space<vmem>>, %arg7: memref<160x128xi32, #tpu.memory_space<vmem>>, %arg8: memref<3x128x128xf32, #tpu.memory_space<vmem>>, %arg9: memref<5120x128xf32, #tpu.memory_space<vmem_shared>>, %arg10: memref<3x!tpu.dma_semaphore, #tpu.memory_space<semaphore_mem>>, %arg11: memref<3x!tpu.dma_semaphore, #tpu.memory_space<semaphore_mem>>) attributes {dimension_semantics = [#tpu.dimension_semantics<core_parallel>, #tpu.dimension_semantics<subcore_parallel>], iteration_bounds = array<i64: 2, 16>, scalar_prefetch = 0 : i64, scratch_operands = 6 : i64, tpu.core_type = #tpu.core_type<sc_vector_subcore>, window_params = [{transform_indices = #map}, {transform_indices = #map1}, {transform_indices = #map1}, {transform_indices = #map}]} {
    %mul3A = arith.constant 5120 : i32
    %mul3A_0 = arith.muli %arg0, %mul3A : i32
    %mul3A_1 = arith.constant 320 : i32
    %mul3A_2 = arith.muli %arg1, %mul3A_1 : i32
    %add3A = arith.addi %mul3A_0, %mul3A_2 : i32
    %mul3A_3 = arith.constant 320 : i32
    %mul3A_4 = arith.muli %arg1, %mul3A_3 : i32
    "tpu.region"() ({
      %run_scoped3A = tpu.sem_alloc : memref<!tpu.dma_semaphore, #tpu.memory_space<semaphore_mem>>
      %dma_start3A = arith.constant 0 : i32
      %dma_start3A_27 = tpu.memref_slice %arg9[%mul3A_4, %dma_start3A] : memref<5120x128xf32, #tpu.memory_space<vmem_shared>> -> memref<320x128xf32, #tpu.memory_space<vmem_shared>>
      %dma_start3A_28 = arith.constant 0 : i32
      %dma_start3A_29 = tpu.memref_slice %arg2[%add3A, %dma_start3A_28] : memref<10240x128xf32, #tpu.memory_space<hbm>> -> memref<320x128xf32, #tpu.memory_space<hbm>>
      tpu.enqueue_dma source(%dma_start3A_29 : memref<320x128xf32, #tpu.memory_space<hbm>>) target(%dma_start3A_27 : memref<320x128xf32, #tpu.memory_space<vmem_shared>>) target_semaphore(%run_scoped3A : memref<!tpu.dma_semaphore, #tpu.memory_space<semaphore_mem>>)
      %dma_wait3A = arith.constant 0 : i32
      %dma_wait3A_30 = tpu.memref_slice %arg9[%mul3A_4, %dma_wait3A] : memref<5120x128xf32, #tpu.memory_space<vmem_shared>> -> memref<320x128xf32, #tpu.memory_space<vmem_shared>>
      %dma_wait3A_31 = arith.constant 0 : i32
      %dma_wait3A_32 = tpu.memref_slice %arg2[%add3A, %dma_wait3A_31] : memref<10240x128xf32, #tpu.memory_space<hbm>> -> memref<320x128xf32, #tpu.memory_space<hbm>>
      tpu.wait_dma2 semaphore(%run_scoped3A : memref<!tpu.dma_semaphore, #tpu.memory_space<semaphore_mem>>) src(%dma_wait3A_32 : memref<320x128xf32, #tpu.memory_space<hbm>>) dst(%dma_wait3A_30 : memref<320x128xf32, #tpu.memory_space<vmem_shared>>)
      tpu.yield
    }) : () -> ()
    %barrier3A = arith.constant 0 : index
    tpu.barrier barrier_id(%barrier3A)
    "tpu.region"() ({
      %run_scoped3A = tpu.sem_alloc : memref<!tpu.dma_semaphore, #tpu.memory_space<semaphore_mem>>
      %dma_start3A = arith.constant 0 : i32
      %dma_start3A_27 = arith.constant 0 : i32
      %dma_start3A_28 = tpu.memref_slice %arg3[%arg0, %arg1, %dma_start3A, %dma_start3A_27] : memref<2x16x160x128xi32, #tpu.memory_space<hbm>> -> memref<1x1x160x128xi32, #tpu.memory_space<hbm>>
      %dma_start3A_29 = tpu.memref_squeeze %dma_start3A_28 : memref<1x1x160x128xi32, #tpu.memory_space<hbm>> -> memref<160x128xi32, #tpu.memory_space<hbm>>
      %dma_start3A_30 = arith.constant 0 : i32
      %dma_start3A_31 = arith.constant 0 : i32
      %dma_start3A_32 = tpu.memref_slice %arg3[%arg0, %arg1, %dma_start3A_30, %dma_start3A_31] : memref<2x16x160x128xi32, #tpu.memory_space<hbm>> -> memref<1x1x160x128xi32, #tpu.memory_space<hbm>>
      %dma_start3A_33 = tpu.memref_squeeze %dma_start3A_32 : memref<1x1x160x128xi32, #tpu.memory_space<hbm>> -> memref<160x128xi32, #tpu.memory_space<hbm>>
      tpu.enqueue_dma source(%dma_start3A_33 : memref<160x128xi32, #tpu.memory_space<hbm>>) target(%arg6 : memref<160x128xi32, #tpu.memory_space<vmem>>) target_semaphore(%run_scoped3A : memref<!tpu.dma_semaphore, #tpu.memory_space<semaphore_mem>>)
      %dma_wait3A = arith.constant 0 : i32
      %dma_wait3A_34 = arith.constant 0 : i32
      %dma_wait3A_35 = tpu.memref_slice %arg3[%arg0, %arg1, %dma_wait3A, %dma_wait3A_34] : memref<2x16x160x128xi32, #tpu.memory_space<hbm>> -> memref<1x1x160x128xi32, #tpu.memory_space<hbm>>
      %dma_wait3A_36 = tpu.memref_squeeze %dma_wait3A_35 : memref<1x1x160x128xi32, #tpu.memory_space<hbm>> -> memref<160x128xi32, #tpu.memory_space<hbm>>
      %dma_wait3A_37 = arith.constant 0 : i32
      %dma_wait3A_38 = arith.constant 0 : i32
      %dma_wait3A_39 = tpu.memref_slice %arg3[%arg0, %arg1, %dma_wait3A_37, %dma_wait3A_38] : memref<2x16x160x128xi32, #tpu.memory_space<hbm>> -> memref<1x1x160x128xi32, #tpu.memory_space<hbm>>
      %dma_wait3A_40 = tpu.memref_squeeze %dma_wait3A_39 : memref<1x1x160x128xi32, #tpu.memory_space<hbm>> -> memref<160x128xi32, #tpu.memory_space<hbm>>
      tpu.wait_dma2 semaphore(%run_scoped3A : memref<!tpu.dma_semaphore, #tpu.memory_space<semaphore_mem>>) src(%dma_wait3A_40 : memref<160x128xi32, #tpu.memory_space<hbm>>) dst(%arg6 : memref<160x128xi32, #tpu.memory_space<vmem>>)
      tpu.yield
    }) : () -> ()
    "tpu.region"() ({
      %run_scoped3A = tpu.sem_alloc : memref<!tpu.dma_semaphore, #tpu.memory_space<semaphore_mem>>
      %dma_start3A = arith.constant 0 : i32
      %dma_start3A_27 = arith.constant 0 : i32
      %dma_start3A_28 = tpu.memref_slice %arg4[%arg0, %arg1, %dma_start3A, %dma_start3A_27] : memref<2x16x160x128xi32, #tpu.memory_space<hbm>> -> memref<1x1x160x128xi32, #tpu.memory_space<hbm>>
      %dma_start3A_29 = tpu.memref_squeeze %dma_start3A_28 : memref<1x1x160x128xi32, #tpu.memory_space<hbm>> -> memref<160x128xi32, #tpu.memory_space<hbm>>
      %dma_start3A_30 = arith.constant 0 : i32
      %dma_start3A_31 = arith.constant 0 : i32
      %dma_start3A_32 = tpu.memref_slice %arg4[%arg0, %arg1, %dma_start3A_30, %dma_start3A_31] : memref<2x16x160x128xi32, #tpu.memory_space<hbm>> -> memref<1x1x160x128xi32, #tpu.memory_space<hbm>>
      %dma_start3A_33 = tpu.memref_squeeze %dma_start3A_32 : memref<1x1x160x128xi32, #tpu.memory_space<hbm>> -> memref<160x128xi32, #tpu.memory_space<hbm>>
      tpu.enqueue_dma source(%dma_start3A_33 : memref<160x128xi32, #tpu.memory_space<hbm>>) target(%arg7 : memref<160x128xi32, #tpu.memory_space<vmem>>) target_semaphore(%run_scoped3A : memref<!tpu.dma_semaphore, #tpu.memory_space<semaphore_mem>>)
      %dma_wait3A = arith.constant 0 : i32
      %dma_wait3A_34 = arith.constant 0 : i32
      %dma_wait3A_35 = tpu.memref_slice %arg4[%arg0, %arg1, %dma_wait3A, %dma_wait3A_34] : memref<2x16x160x128xi32, #tpu.memory_space<hbm>> -> memref<1x1x160x128xi32, #tpu.memory_space<hbm>>
      %dma_wait3A_36 = tpu.memref_squeeze %dma_wait3A_35 : memref<1x1x160x128xi32, #tpu.memory_space<hbm>> -> memref<160x128xi32, #tpu.memory_space<hbm>>
      %dma_wait3A_37 = arith.constant 0 : i32
      %dma_wait3A_38 = arith.constant 0 : i32
      %dma_wait3A_39 = tpu.memref_slice %arg4[%arg0, %arg1, %dma_wait3A_37, %dma_wait3A_38] : memref<2x16x160x128xi32, #tpu.memory_space<hbm>> -> memref<1x1x160x128xi32, #tpu.memory_space<hbm>>
      %dma_wait3A_40 = tpu.memref_squeeze %dma_wait3A_39 : memref<1x1x160x128xi32, #tpu.memory_space<hbm>> -> memref<160x128xi32, #tpu.memory_space<hbm>>
      tpu.wait_dma2 semaphore(%run_scoped3A : memref<!tpu.dma_semaphore, #tpu.memory_space<semaphore_mem>>) src(%dma_wait3A_40 : memref<160x128xi32, #tpu.memory_space<hbm>>) dst(%arg7 : memref<160x128xi32, #tpu.memory_space<vmem>>)
      tpu.yield
    }) : () -> ()
    %scan3A = arith.constant 0 : i32
    %scan3A_5 = arith.constant 3 : i32
    %scan3A_6 = arith.addi %scan3A, %scan3A_5 : i32
    %scan3A_7 = arith.constant 1 : i32
    scf.for %scan3A_27 = %scan3A to %scan3A_6 step %scan3A_7  : i32 {
      %dma_start3A = arith.constant 0 : i32
      %dma_start3A_28 = arith.constant 0 : i32
      %dma_start3A_29 = tpu.memref_slice %arg8[%scan3A_27, %dma_start3A, %dma_start3A_28] : memref<3x128x128xf32, #tpu.memory_space<vmem>> -> memref<1x128x128xf32, #tpu.memory_space<vmem>>
      %dma_start3A_30 = tpu.memref_squeeze %dma_start3A_29 : memref<1x128x128xf32, #tpu.memory_space<vmem>> -> memref<128x128xf32, #tpu.memory_space<vmem>>
      %dma_start3A_31 = arith.constant 0 : i32
      %dma_start3A_32 = tpu.memref_slice %arg6[%scan3A_27, %dma_start3A_31] : memref<160x128xi32, #tpu.memory_space<vmem>> -> memref<1x128xi32, #tpu.memory_space<vmem>>
      %dma_start3A_33 = tpu.memref_squeeze %dma_start3A_32 : memref<1x128xi32, #tpu.memory_space<vmem>> -> memref<128xi32, #tpu.memory_space<vmem>>
      %dma_start3A_34 = arith.constant 0 : i32
      %dma_start3A_35 = arith.constant 0 : i32
      %dma_start3A_36 = tpu.memref_slice %arg2[%dma_start3A_34, %dma_start3A_35] : memref<10240x128xf32, #tpu.memory_space<hbm>> -> memref<10240x128xf32, #tpu.memory_space<hbm>>
      %dma_start3A_37 = arith.constant -1 : i32
      %dma_start3A_38 = tpu.memref_slice %arg10[%scan3A_27] : memref<3x!tpu.dma_semaphore, #tpu.memory_space<semaphore_mem>> -> memref<1x!tpu.dma_semaphore, #tpu.memory_space<semaphore_mem>>
      %dma_start3A_39 = tpu.memref_squeeze %dma_start3A_38 : memref<1x!tpu.dma_semaphore, #tpu.memory_space<semaphore_mem>> -> memref<!tpu.dma_semaphore, #tpu.memory_space<semaphore_mem>>
      tpu.enqueue_indirect_dma source(%dma_start3A_36 : memref<10240x128xf32, #tpu.memory_space<hbm>>) target(%dma_start3A_30 : memref<128x128xf32, #tpu.memory_space<vmem>>) offsets(%dma_start3A_33 : memref<128xi32, #tpu.memory_space<vmem>>) offset_filter(%dma_start3A_37) semaphore(%dma_start3A_39 : memref<!tpu.dma_semaphore, #tpu.memory_space<semaphore_mem>>)
    }
    %scan3A_8 = arith.constant 3 : i32
    %scan3A_9 = arith.constant 0 : i32
    %scan3A_10 = arith.constant 157 : i32
    %scan3A_11 = arith.addi %scan3A_9, %scan3A_10 : i32
    %scan3A_12 = arith.constant 1 : i32
    scf.for %scan3A_27 = %scan3A_9 to %scan3A_11 step %scan3A_12  : i32 {
      %rem3A = arith.constant 3 : i32
      %rem3A_28 = arith.remsi %scan3A_27, %rem3A : i32
      %dma_wait3A = arith.constant 0 : i32
      %dma_wait3A_29 = arith.constant 0 : i32
      %dma_wait3A_30 = tpu.memref_slice %arg8[%rem3A_28, %dma_wait3A, %dma_wait3A_29] : memref<3x128x128xf32, #tpu.memory_space<vmem>> -> memref<1x128x128xf32, #tpu.memory_space<vmem>>
      %dma_wait3A_31 = tpu.memref_squeeze %dma_wait3A_30 : memref<1x128x128xf32, #tpu.memory_space<vmem>> -> memref<128x128xf32, #tpu.memory_space<vmem>>
      %dma_wait3A_32 = arith.constant 0 : i32
      %dma_wait3A_33 = tpu.memref_slice %arg6[%scan3A_27, %dma_wait3A_32] : memref<160x128xi32, #tpu.memory_space<vmem>> -> memref<1x128xi32, #tpu.memory_space<vmem>>
      %dma_wait3A_34 = tpu.memref_squeeze %dma_wait3A_33 : memref<1x128xi32, #tpu.memory_space<vmem>> -> memref<128xi32, #tpu.memory_space<vmem>>
      %dma_wait3A_35 = arith.constant 0 : i32
      %dma_wait3A_36 = arith.constant 0 : i32
      %dma_wait3A_37 = tpu.memref_slice %arg2[%dma_wait3A_35, %dma_wait3A_36] : memref<10240x128xf32, #tpu.memory_space<hbm>> -> memref<10240x128xf32, #tpu.memory_space<hbm>>
      %dma_wait3A_38 = tpu.memref_slice %arg10[%rem3A_28] : memref<3x!tpu.dma_semaphore, #tpu.memory_space<semaphore_mem>> -> memref<1x!tpu.dma_semaphore, #tpu.memory_space<semaphore_mem>>
      %dma_wait3A_39 = tpu.memref_squeeze %dma_wait3A_38 : memref<1x!tpu.dma_semaphore, #tpu.memory_space<semaphore_mem>> -> memref<!tpu.dma_semaphore, #tpu.memory_space<semaphore_mem>>
      tpu.wait_indirect_dma semaphore(%dma_wait3A_39 : memref<!tpu.dma_semaphore, #tpu.memory_space<semaphore_mem>>) src(%dma_wait3A_37 : memref<10240x128xf32, #tpu.memory_space<hbm>>) dst(%dma_wait3A_31 : memref<128x128xf32, #tpu.memory_space<vmem>>)
      %dma_start3A = arith.constant 0 : i32
      %dma_start3A_40 = arith.constant 0 : i32
      %dma_start3A_41 = tpu.memref_slice %arg8[%rem3A_28, %dma_start3A, %dma_start3A_40] : memref<3x128x128xf32, #tpu.memory_space<vmem>> -> memref<1x128x128xf32, #tpu.memory_space<vmem>>
      %dma_start3A_42 = tpu.memref_squeeze %dma_start3A_41 : memref<1x128x128xf32, #tpu.memory_space<vmem>> -> memref<128x128xf32, #tpu.memory_space<vmem>>
      %dma_start3A_43 = arith.constant 0 : i32
      %dma_start3A_44 = tpu.memref_slice %arg7[%scan3A_27, %dma_start3A_43] : memref<160x128xi32, #tpu.memory_space<vmem>> -> memref<1x128xi32, #tpu.memory_space<vmem>>
      %dma_start3A_45 = tpu.memref_squeeze %dma_start3A_44 : memref<1x128xi32, #tpu.memory_space<vmem>> -> memref<128xi32, #tpu.memory_space<vmem>>
      %dma_start3A_46 = arith.constant 0 : i32
      %dma_start3A_47 = arith.constant 0 : i32
      %dma_start3A_48 = tpu.memref_slice %arg9[%dma_start3A_46, %dma_start3A_47] : memref<5120x128xf32, #tpu.memory_space<vmem_shared>> -> memref<5120x128xf32, #tpu.memory_space<vmem_shared>>
      %dma_start3A_49 = arith.constant -1 : i32
      %dma_start3A_50 = tpu.memref_slice %arg11[%rem3A_28] : memref<3x!tpu.dma_semaphore, #tpu.memory_space<semaphore_mem>> -> memref<1x!tpu.dma_semaphore, #tpu.memory_space<semaphore_mem>>
      %dma_start3A_51 = tpu.memref_squeeze %dma_start3A_50 : memref<1x!tpu.dma_semaphore, #tpu.memory_space<semaphore_mem>> -> memref<!tpu.dma_semaphore, #tpu.memory_space<semaphore_mem>>
      tpu.enqueue_indirect_dma source(%dma_start3A_42 : memref<128x128xf32, #tpu.memory_space<vmem>>) target(%dma_start3A_48 : memref<5120x128xf32, #tpu.memory_space<vmem_shared>>) offsets(%dma_start3A_45 : memref<128xi32, #tpu.memory_space<vmem>>) offset_filter(%dma_start3A_49) semaphore(%dma_start3A_51 : memref<!tpu.dma_semaphore, #tpu.memory_space<semaphore_mem>>) {add = true}
      %dma_wait3A_52 = arith.constant 0 : i32
      %dma_wait3A_53 = arith.constant 0 : i32
      %dma_wait3A_54 = tpu.memref_slice %arg8[%rem3A_28, %dma_wait3A_52, %dma_wait3A_53] : memref<3x128x128xf32, #tpu.memory_space<vmem>> -> memref<1x128x128xf32, #tpu.memory_space<vmem>>
      %dma_wait3A_55 = tpu.memref_squeeze %dma_wait3A_54 : memref<1x128x128xf32, #tpu.memory_space<vmem>> -> memref<128x128xf32, #tpu.memory_space<vmem>>
      %dma_wait3A_56 = arith.constant 0 : i32
      %dma_wait3A_57 = tpu.memref_slice %arg7[%scan3A_27, %dma_wait3A_56] : memref<160x128xi32, #tpu.memory_space<vmem>> -> memref<1x128xi32, #tpu.memory_space<vmem>>
      %dma_wait3A_58 = tpu.memref_squeeze %dma_wait3A_57 : memref<1x128xi32, #tpu.memory_space<vmem>> -> memref<128xi32, #tpu.memory_space<vmem>>
      %dma_wait3A_59 = arith.constant 0 : i32
      %dma_wait3A_60 = arith.constant 0 : i32
      %dma_wait3A_61 = tpu.memref_slice %arg9[%dma_wait3A_59, %dma_wait3A_60] : memref<5120x128xf32, #tpu.memory_space<vmem_shared>> -> memref<5120x128xf32, #tpu.memory_space<vmem_shared>>
      %dma_wait3A_62 = tpu.memref_slice %arg11[%rem3A_28] : memref<3x!tpu.dma_semaphore, #tpu.memory_space<semaphore_mem>> -> memref<1x!tpu.dma_semaphore, #tpu.memory_space<semaphore_mem>>
      %dma_wait3A_63 = tpu.memref_squeeze %dma_wait3A_62 : memref<1x!tpu.dma_semaphore, #tpu.memory_space<semaphore_mem>> -> memref<!tpu.dma_semaphore, #tpu.memory_space<semaphore_mem>>
      tpu.wait_indirect_dma semaphore(%dma_wait3A_63 : memref<!tpu.dma_semaphore, #tpu.memory_space<semaphore_mem>>) src(%dma_wait3A_55 : memref<128x128xf32, #tpu.memory_space<vmem>>) dst(%dma_wait3A_61 : memref<5120x128xf32, #tpu.memory_space<vmem_shared>>)
      %add3A_64 = arith.constant 3 : i32
      %add3A_65 = arith.addi %scan3A_27, %add3A_64 : i32
      %dma_start3A_66 = arith.constant 0 : i32
      %dma_start3A_67 = arith.constant 0 : i32
      %dma_start3A_68 = tpu.memref_slice %arg8[%rem3A_28, %dma_start3A_66, %dma_start3A_67] : memref<3x128x128xf32, #tpu.memory_space<vmem>> -> memref<1x128x128xf32, #tpu.memory_space<vmem>>
      %dma_start3A_69 = tpu.memref_squeeze %dma_start3A_68 : memref<1x128x128xf32, #tpu.memory_space<vmem>> -> memref<128x128xf32, #tpu.memory_space<vmem>>
      %dma_start3A_70 = arith.constant 0 : i32
      %dma_start3A_71 = tpu.memref_slice %arg6[%add3A_65, %dma_start3A_70] : memref<160x128xi32, #tpu.memory_space<vmem>> -> memref<1x128xi32, #tpu.memory_space<vmem>>
      %dma_start3A_72 = tpu.memref_squeeze %dma_start3A_71 : memref<1x128xi32, #tpu.memory_space<vmem>> -> memref<128xi32, #tpu.memory_space<vmem>>
      %dma_start3A_73 = arith.constant 0 : i32
      %dma_start3A_74 = arith.constant 0 : i32
      %dma_start3A_75 = tpu.memref_slice %arg2[%dma_start3A_73, %dma_start3A_74] : memref<10240x128xf32, #tpu.memory_space<hbm>> -> memref<10240x128xf32, #tpu.memory_space<hbm>>
      %dma_start3A_76 = arith.constant -1 : i32
      %dma_start3A_77 = tpu.memref_slice %arg10[%rem3A_28] : memref<3x!tpu.dma_semaphore, #tpu.memory_space<semaphore_mem>> -> memref<1x!tpu.dma_semaphore, #tpu.memory_space<semaphore_mem>>
      %dma_start3A_78 = tpu.memref_squeeze %dma_start3A_77 : memref<1x!tpu.dma_semaphore, #tpu.memory_space<semaphore_mem>> -> memref<!tpu.dma_semaphore, #tpu.memory_space<semaphore_mem>>
      tpu.enqueue_indirect_dma source(%dma_start3A_75 : memref<10240x128xf32, #tpu.memory_space<hbm>>) target(%dma_start3A_69 : memref<128x128xf32, #tpu.memory_space<vmem>>) offsets(%dma_start3A_72 : memref<128xi32, #tpu.memory_space<vmem>>) offset_filter(%dma_start3A_76) semaphore(%dma_start3A_78 : memref<!tpu.dma_semaphore, #tpu.memory_space<semaphore_mem>>)
    }
    %scan3A_13 = arith.constant 157 : i32
    %scan3A_14 = arith.constant 157 : i32
    %scan3A_15 = arith.constant 3 : i32
    %scan3A_16 = arith.addi %scan3A_14, %scan3A_15 : i32
    %scan3A_17 = arith.constant 1 : i32
    scf.for %scan3A_27 = %scan3A_14 to %scan3A_16 step %scan3A_17  : i32 {
      %rem3A = arith.constant 3 : i32
      %rem3A_28 = arith.remsi %scan3A_27, %rem3A : i32
      %dma_wait3A = arith.constant 0 : i32
      %dma_wait3A_29 = arith.constant 0 : i32
      %dma_wait3A_30 = tpu.memref_slice %arg8[%rem3A_28, %dma_wait3A, %dma_wait3A_29] : memref<3x128x128xf32, #tpu.memory_space<vmem>> -> memref<1x128x128xf32, #tpu.memory_space<vmem>>
      %dma_wait3A_31 = tpu.memref_squeeze %dma_wait3A_30 : memref<1x128x128xf32, #tpu.memory_space<vmem>> -> memref<128x128xf32, #tpu.memory_space<vmem>>
      %dma_wait3A_32 = arith.constant 0 : i32
      %dma_wait3A_33 = tpu.memref_slice %arg6[%scan3A_27, %dma_wait3A_32] : memref<160x128xi32, #tpu.memory_space<vmem>> -> memref<1x128xi32, #tpu.memory_space<vmem>>
      %dma_wait3A_34 = tpu.memref_squeeze %dma_wait3A_33 : memref<1x128xi32, #tpu.memory_space<vmem>> -> memref<128xi32, #tpu.memory_space<vmem>>
      %dma_wait3A_35 = arith.constant 0 : i32
      %dma_wait3A_36 = arith.constant 0 : i32
      %dma_wait3A_37 = tpu.memref_slice %arg2[%dma_wait3A_35, %dma_wait3A_36] : memref<10240x128xf32, #tpu.memory_space<hbm>> -> memref<10240x128xf32, #tpu.memory_space<hbm>>
      %dma_wait3A_38 = tpu.memref_slice %arg10[%rem3A_28] : memref<3x!tpu.dma_semaphore, #tpu.memory_space<semaphore_mem>> -> memref<1x!tpu.dma_semaphore, #tpu.memory_space<semaphore_mem>>
      %dma_wait3A_39 = tpu.memref_squeeze %dma_wait3A_38 : memref<1x!tpu.dma_semaphore, #tpu.memory_space<semaphore_mem>> -> memref<!tpu.dma_semaphore, #tpu.memory_space<semaphore_mem>>
      tpu.wait_indirect_dma semaphore(%dma_wait3A_39 : memref<!tpu.dma_semaphore, #tpu.memory_space<semaphore_mem>>) src(%dma_wait3A_37 : memref<10240x128xf32, #tpu.memory_space<hbm>>) dst(%dma_wait3A_31 : memref<128x128xf32, #tpu.memory_space<vmem>>)
      %dma_start3A = arith.constant 0 : i32
      %dma_start3A_40 = arith.constant 0 : i32
      %dma_start3A_41 = tpu.memref_slice %arg8[%rem3A_28, %dma_start3A, %dma_start3A_40] : memref<3x128x128xf32, #tpu.memory_space<vmem>> -> memref<1x128x128xf32, #tpu.memory_space<vmem>>
      %dma_start3A_42 = tpu.memref_squeeze %dma_start3A_41 : memref<1x128x128xf32, #tpu.memory_space<vmem>> -> memref<128x128xf32, #tpu.memory_space<vmem>>
      %dma_start3A_43 = arith.constant 0 : i32
      %dma_start3A_44 = tpu.memref_slice %arg7[%scan3A_27, %dma_start3A_43] : memref<160x128xi32, #tpu.memory_space<vmem>> -> memref<1x128xi32, #tpu.memory_space<vmem>>
      %dma_start3A_45 = tpu.memref_squeeze %dma_start3A_44 : memref<1x128xi32, #tpu.memory_space<vmem>> -> memref<128xi32, #tpu.memory_space<vmem>>
      %dma_start3A_46 = arith.constant 0 : i32
      %dma_start3A_47 = arith.constant 0 : i32
      %dma_start3A_48 = tpu.memref_slice %arg9[%dma_start3A_46, %dma_start3A_47] : memref<5120x128xf32, #tpu.memory_space<vmem_shared>> -> memref<5120x128xf32, #tpu.memory_space<vmem_shared>>
      %dma_start3A_49 = arith.constant -1 : i32
      %dma_start3A_50 = tpu.memref_slice %arg11[%rem3A_28] : memref<3x!tpu.dma_semaphore, #tpu.memory_space<semaphore_mem>> -> memref<1x!tpu.dma_semaphore, #tpu.memory_space<semaphore_mem>>
      %dma_start3A_51 = tpu.memref_squeeze %dma_start3A_50 : memref<1x!tpu.dma_semaphore, #tpu.memory_space<semaphore_mem>> -> memref<!tpu.dma_semaphore, #tpu.memory_space<semaphore_mem>>
      tpu.enqueue_indirect_dma source(%dma_start3A_42 : memref<128x128xf32, #tpu.memory_space<vmem>>) target(%dma_start3A_48 : memref<5120x128xf32, #tpu.memory_space<vmem_shared>>) offsets(%dma_start3A_45 : memref<128xi32, #tpu.memory_space<vmem>>) offset_filter(%dma_start3A_49) semaphore(%dma_start3A_51 : memref<!tpu.dma_semaphore, #tpu.memory_space<semaphore_mem>>) {add = true}
      %dma_wait3A_52 = arith.constant 0 : i32
      %dma_wait3A_53 = arith.constant 0 : i32
      %dma_wait3A_54 = tpu.memref_slice %arg8[%rem3A_28, %dma_wait3A_52, %dma_wait3A_53] : memref<3x128x128xf32, #tpu.memory_space<vmem>> -> memref<1x128x128xf32, #tpu.memory_space<vmem>>
      %dma_wait3A_55 = tpu.memref_squeeze %dma_wait3A_54 : memref<1x128x128xf32, #tpu.memory_space<vmem>> -> memref<128x128xf32, #tpu.memory_space<vmem>>
      %dma_wait3A_56 = arith.constant 0 : i32
      %dma_wait3A_57 = tpu.memref_slice %arg7[%scan3A_27, %dma_wait3A_56] : memref<160x128xi32, #tpu.memory_space<vmem>> -> memref<1x128xi32, #tpu.memory_space<vmem>>
      %dma_wait3A_58 = tpu.memref_squeeze %dma_wait3A_57 : memref<1x128xi32, #tpu.memory_space<vmem>> -> memref<128xi32, #tpu.memory_space<vmem>>
      %dma_wait3A_59 = arith.constant 0 : i32
      %dma_wait3A_60 = arith.constant 0 : i32
      %dma_wait3A_61 = tpu.memref_slice %arg9[%dma_wait3A_59, %dma_wait3A_60] : memref<5120x128xf32, #tpu.memory_space<vmem_shared>> -> memref<5120x128xf32, #tpu.memory_space<vmem_shared>>
      %dma_wait3A_62 = tpu.memref_slice %arg11[%rem3A_28] : memref<3x!tpu.dma_semaphore, #tpu.memory_space<semaphore_mem>> -> memref<1x!tpu.dma_semaphore, #tpu.memory_space<semaphore_mem>>
      %dma_wait3A_63 = tpu.memref_squeeze %dma_wait3A_62 : memref<1x!tpu.dma_semaphore, #tpu.memory_space<semaphore_mem>> -> memref<!tpu.dma_semaphore, #tpu.memory_space<semaphore_mem>>
      tpu.wait_indirect_dma semaphore(%dma_wait3A_63 : memref<!tpu.dma_semaphore, #tpu.memory_space<semaphore_mem>>) src(%dma_wait3A_55 : memref<128x128xf32, #tpu.memory_space<vmem>>) dst(%dma_wait3A_61 : memref<5120x128xf32, #tpu.memory_space<vmem_shared>>)
    }
    %scan3A_18 = arith.constant 3 : i32
    %barrier3A_19 = arith.constant 0 : index
    tpu.barrier barrier_id(%barrier3A_19)
    %mul3A_20 = arith.constant 320 : i32
    %mul3A_21 = arith.muli %arg1, %mul3A_20 : i32
    %mul3A_22 = arith.constant 5120 : i32
    %mul3A_23 = arith.muli %arg0, %mul3A_22 : i32
    %mul3A_24 = arith.constant 320 : i32
    %mul3A_25 = arith.muli %arg1, %mul3A_24 : i32
    %add3A_26 = arith.addi %mul3A_23, %mul3A_25 : i32
    "tpu.region"() ({
      %run_scoped3A = tpu.sem_alloc : memref<!tpu.dma_semaphore, #tpu.memory_space<semaphore_mem>>
      %dma_start3A = arith.constant 0 : i32
      %dma_start3A_27 = tpu.memref_slice %arg5[%add3A_26, %dma_start3A] : memref<10240x128xf32, #tpu.memory_space<hbm>> -> memref<320x128xf32, #tpu.memory_space<hbm>>
      %dma_start3A_28 = arith.constant 0 : i32
      %dma_start3A_29 = tpu.memref_slice %arg9[%mul3A_21, %dma_start3A_28] : memref<5120x128xf32, #tpu.memory_space<vmem_shared>> -> memref<320x128xf32, #tpu.memory_space<vmem_shared>>
      tpu.enqueue_dma source(%dma_start3A_29 : memref<320x128xf32, #tpu.memory_space<vmem_shared>>) target(%dma_start3A_27 : memref<320x128xf32, #tpu.memory_space<hbm>>) target_semaphore(%run_scoped3A : memref<!tpu.dma_semaphore, #tpu.memory_space<semaphore_mem>>)
      %dma_wait3A = arith.constant 0 : i32
      %dma_wait3A_30 = tpu.memref_slice %arg5[%add3A_26, %dma_wait3A] : memref<10240x128xf32, #tpu.memory_space<hbm>> -> memref<320x128xf32, #tpu.memory_space<hbm>>
      %dma_wait3A_31 = arith.constant 0 : i32
      %dma_wait3A_32 = tpu.memref_slice %arg9[%mul3A_21, %dma_wait3A_31] : memref<5120x128xf32, #tpu.memory_space<vmem_shared>> -> memref<320x128xf32, #tpu.memory_space<vmem_shared>>
      tpu.wait_dma2 semaphore(%run_scoped3A : memref<!tpu.dma_semaphore, #tpu.memory_space<semaphore_mem>>) src(%dma_wait3A_32 : memref<320x128xf32, #tpu.memory_space<vmem_shared>>) dst(%dma_wait3A_30 : memref<320x128xf32, #tpu.memory_space<hbm>>)
      tpu.yield
    }) : () -> ()
    return
  }
}

#map = affine_map<(d0, d1) -> (0, 0)>
#map1 = affine_map<(d0, d1) -> (0, 0, 0, 0)>
module attributes {stable_mosaic.version = 14 : i64} {
  func.func @_sc_agg_wide(%arg0: i32, %arg1: i32, %arg2: memref<10240x128xf32, #tpu.memory_space<hbm>>, %arg3: memref<2x16x160x128xi32, #tpu.memory_space<hbm>>, %arg4: memref<2x16x160x128xi32, #tpu.memory_space<hbm>>, %arg5: memref<10240x128xf32, #tpu.memory_space<hbm>>, %arg6: memref<160x128xi32, #tpu.memory_space<vmem>>, %arg7: memref<160x128xi32, #tpu.memory_space<vmem>>, %arg8: memref<3x128x128xf32, #tpu.memory_space<vmem>>, %arg9: memref<5120x128xf32, #tpu.memory_space<vmem_shared>>, %arg10: memref<3x!tpu.dma_semaphore, #tpu.memory_space<semaphore_mem>>, %arg11: memref<3x!tpu.dma_semaphore, #tpu.memory_space<semaphore_mem>>) attributes {dimension_semantics = [#tpu.dimension_semantics<core_parallel>, #tpu.dimension_semantics<subcore_parallel>], iteration_bounds = array<i64: 2, 16>, scalar_prefetch = 0 : i64, scratch_operands = 6 : i64, tpu.core_type = #tpu.core_type<sc_vector_subcore>, window_params = [{transform_indices = #map}, {transform_indices = #map1}, {transform_indices = #map1}, {transform_indices = #map}]} {
    %mul3A = arith.constant 5120 : i32
    %mul3A_0 = arith.muli %arg0, %mul3A : i32
    %mul3A_1 = arith.constant 320 : i32
    %mul3A_2 = arith.muli %arg1, %mul3A_1 : i32
    %add3A = arith.addi %mul3A_0, %mul3A_2 : i32
    %mul3A_3 = arith.constant 320 : i32
    %mul3A_4 = arith.muli %arg1, %mul3A_3 : i32
    "tpu.region"() ({
      %run_scoped3A = tpu.sem_alloc : memref<!tpu.dma_semaphore, #tpu.memory_space<semaphore_mem>>
      %dma_start3A = arith.constant 0 : i32
      %dma_start3A_27 = tpu.memref_slice %arg9[%mul3A_4, %dma_start3A] : memref<5120x128xf32, #tpu.memory_space<vmem_shared>> -> memref<320x128xf32, #tpu.memory_space<vmem_shared>>
      %dma_start3A_28 = arith.constant 0 : i32
      %dma_start3A_29 = tpu.memref_slice %arg2[%add3A, %dma_start3A_28] : memref<10240x128xf32, #tpu.memory_space<hbm>> -> memref<320x128xf32, #tpu.memory_space<hbm>>
      tpu.enqueue_dma source(%dma_start3A_29 : memref<320x128xf32, #tpu.memory_space<hbm>>) target(%dma_start3A_27 : memref<320x128xf32, #tpu.memory_space<vmem_shared>>) target_semaphore(%run_scoped3A : memref<!tpu.dma_semaphore, #tpu.memory_space<semaphore_mem>>)
      %dma_wait3A = arith.constant 0 : i32
      %dma_wait3A_30 = tpu.memref_slice %arg9[%mul3A_4, %dma_wait3A] : memref<5120x128xf32, #tpu.memory_space<vmem_shared>> -> memref<320x128xf32, #tpu.memory_space<vmem_shared>>
      %dma_wait3A_31 = arith.constant 0 : i32
      %dma_wait3A_32 = tpu.memref_slice %arg2[%add3A, %dma_wait3A_31] : memref<10240x128xf32, #tpu.memory_space<hbm>> -> memref<320x128xf32, #tpu.memory_space<hbm>>
      tpu.wait_dma2 semaphore(%run_scoped3A : memref<!tpu.dma_semaphore, #tpu.memory_space<semaphore_mem>>) src(%dma_wait3A_32 : memref<320x128xf32, #tpu.memory_space<hbm>>) dst(%dma_wait3A_30 : memref<320x128xf32, #tpu.memory_space<vmem_shared>>)
      tpu.yield
    }) : () -> ()
    %barrier3A = arith.constant 0 : index
    tpu.barrier barrier_id(%barrier3A)
    "tpu.region"() ({
      %run_scoped3A = tpu.sem_alloc : memref<!tpu.dma_semaphore, #tpu.memory_space<semaphore_mem>>
      %dma_start3A = arith.constant 0 : i32
      %dma_start3A_27 = arith.constant 0 : i32
      %dma_start3A_28 = tpu.memref_slice %arg3[%arg0, %arg1, %dma_start3A, %dma_start3A_27] : memref<2x16x160x128xi32, #tpu.memory_space<hbm>> -> memref<1x1x160x128xi32, #tpu.memory_space<hbm>>
      %dma_start3A_29 = tpu.memref_squeeze %dma_start3A_28 : memref<1x1x160x128xi32, #tpu.memory_space<hbm>> -> memref<160x128xi32, #tpu.memory_space<hbm>>
      %dma_start3A_30 = arith.constant 0 : i32
      %dma_start3A_31 = arith.constant 0 : i32
      %dma_start3A_32 = tpu.memref_slice %arg3[%arg0, %arg1, %dma_start3A_30, %dma_start3A_31] : memref<2x16x160x128xi32, #tpu.memory_space<hbm>> -> memref<1x1x160x128xi32, #tpu.memory_space<hbm>>
      %dma_start3A_33 = tpu.memref_squeeze %dma_start3A_32 : memref<1x1x160x128xi32, #tpu.memory_space<hbm>> -> memref<160x128xi32, #tpu.memory_space<hbm>>
      tpu.enqueue_dma source(%dma_start3A_33 : memref<160x128xi32, #tpu.memory_space<hbm>>) target(%arg6 : memref<160x128xi32, #tpu.memory_space<vmem>>) target_semaphore(%run_scoped3A : memref<!tpu.dma_semaphore, #tpu.memory_space<semaphore_mem>>)
      %dma_wait3A = arith.constant 0 : i32
      %dma_wait3A_34 = arith.constant 0 : i32
      %dma_wait3A_35 = tpu.memref_slice %arg3[%arg0, %arg1, %dma_wait3A, %dma_wait3A_34] : memref<2x16x160x128xi32, #tpu.memory_space<hbm>> -> memref<1x1x160x128xi32, #tpu.memory_space<hbm>>
      %dma_wait3A_36 = tpu.memref_squeeze %dma_wait3A_35 : memref<1x1x160x128xi32, #tpu.memory_space<hbm>> -> memref<160x128xi32, #tpu.memory_space<hbm>>
      %dma_wait3A_37 = arith.constant 0 : i32
      %dma_wait3A_38 = arith.constant 0 : i32
      %dma_wait3A_39 = tpu.memref_slice %arg3[%arg0, %arg1, %dma_wait3A_37, %dma_wait3A_38] : memref<2x16x160x128xi32, #tpu.memory_space<hbm>> -> memref<1x1x160x128xi32, #tpu.memory_space<hbm>>
      %dma_wait3A_40 = tpu.memref_squeeze %dma_wait3A_39 : memref<1x1x160x128xi32, #tpu.memory_space<hbm>> -> memref<160x128xi32, #tpu.memory_space<hbm>>
      tpu.wait_dma2 semaphore(%run_scoped3A : memref<!tpu.dma_semaphore, #tpu.memory_space<semaphore_mem>>) src(%dma_wait3A_40 : memref<160x128xi32, #tpu.memory_space<hbm>>) dst(%arg6 : memref<160x128xi32, #tpu.memory_space<vmem>>)
      tpu.yield
    }) : () -> ()
    "tpu.region"() ({
      %run_scoped3A = tpu.sem_alloc : memref<!tpu.dma_semaphore, #tpu.memory_space<semaphore_mem>>
      %dma_start3A = arith.constant 0 : i32
      %dma_start3A_27 = arith.constant 0 : i32
      %dma_start3A_28 = tpu.memref_slice %arg4[%arg0, %arg1, %dma_start3A, %dma_start3A_27] : memref<2x16x160x128xi32, #tpu.memory_space<hbm>> -> memref<1x1x160x128xi32, #tpu.memory_space<hbm>>
      %dma_start3A_29 = tpu.memref_squeeze %dma_start3A_28 : memref<1x1x160x128xi32, #tpu.memory_space<hbm>> -> memref<160x128xi32, #tpu.memory_space<hbm>>
      %dma_start3A_30 = arith.constant 0 : i32
      %dma_start3A_31 = arith.constant 0 : i32
      %dma_start3A_32 = tpu.memref_slice %arg4[%arg0, %arg1, %dma_start3A_30, %dma_start3A_31] : memref<2x16x160x128xi32, #tpu.memory_space<hbm>> -> memref<1x1x160x128xi32, #tpu.memory_space<hbm>>
      %dma_start3A_33 = tpu.memref_squeeze %dma_start3A_32 : memref<1x1x160x128xi32, #tpu.memory_space<hbm>> -> memref<160x128xi32, #tpu.memory_space<hbm>>
      tpu.enqueue_dma source(%dma_start3A_33 : memref<160x128xi32, #tpu.memory_space<hbm>>) target(%arg7 : memref<160x128xi32, #tpu.memory_space<vmem>>) target_semaphore(%run_scoped3A : memref<!tpu.dma_semaphore, #tpu.memory_space<semaphore_mem>>)
      %dma_wait3A = arith.constant 0 : i32
      %dma_wait3A_34 = arith.constant 0 : i32
      %dma_wait3A_35 = tpu.memref_slice %arg4[%arg0, %arg1, %dma_wait3A, %dma_wait3A_34] : memref<2x16x160x128xi32, #tpu.memory_space<hbm>> -> memref<1x1x160x128xi32, #tpu.memory_space<hbm>>
      %dma_wait3A_36 = tpu.memref_squeeze %dma_wait3A_35 : memref<1x1x160x128xi32, #tpu.memory_space<hbm>> -> memref<160x128xi32, #tpu.memory_space<hbm>>
      %dma_wait3A_37 = arith.constant 0 : i32
      %dma_wait3A_38 = arith.constant 0 : i32
      %dma_wait3A_39 = tpu.memref_slice %arg4[%arg0, %arg1, %dma_wait3A_37, %dma_wait3A_38] : memref<2x16x160x128xi32, #tpu.memory_space<hbm>> -> memref<1x1x160x128xi32, #tpu.memory_space<hbm>>
      %dma_wait3A_40 = tpu.memref_squeeze %dma_wait3A_39 : memref<1x1x160x128xi32, #tpu.memory_space<hbm>> -> memref<160x128xi32, #tpu.memory_space<hbm>>
      tpu.wait_dma2 semaphore(%run_scoped3A : memref<!tpu.dma_semaphore, #tpu.memory_space<semaphore_mem>>) src(%dma_wait3A_40 : memref<160x128xi32, #tpu.memory_space<hbm>>) dst(%arg7 : memref<160x128xi32, #tpu.memory_space<vmem>>)
      tpu.yield
    }) : () -> ()
    %scan3A = arith.constant 0 : i32
    %scan3A_5 = arith.constant 3 : i32
    %scan3A_6 = arith.addi %scan3A, %scan3A_5 : i32
    %scan3A_7 = arith.constant 1 : i32
    scf.for %scan3A_27 = %scan3A to %scan3A_6 step %scan3A_7  : i32 {
      %dma_start3A = arith.constant 0 : i32
      %dma_start3A_28 = arith.constant 0 : i32
      %dma_start3A_29 = tpu.memref_slice %arg8[%scan3A_27, %dma_start3A, %dma_start3A_28] : memref<3x128x128xf32, #tpu.memory_space<vmem>> -> memref<1x128x128xf32, #tpu.memory_space<vmem>>
      %dma_start3A_30 = tpu.memref_squeeze %dma_start3A_29 : memref<1x128x128xf32, #tpu.memory_space<vmem>> -> memref<128x128xf32, #tpu.memory_space<vmem>>
      %dma_start3A_31 = arith.constant 0 : i32
      %dma_start3A_32 = tpu.memref_slice %arg6[%scan3A_27, %dma_start3A_31] : memref<160x128xi32, #tpu.memory_space<vmem>> -> memref<1x128xi32, #tpu.memory_space<vmem>>
      %dma_start3A_33 = tpu.memref_squeeze %dma_start3A_32 : memref<1x128xi32, #tpu.memory_space<vmem>> -> memref<128xi32, #tpu.memory_space<vmem>>
      %dma_start3A_34 = arith.constant 0 : i32
      %dma_start3A_35 = arith.constant 0 : i32
      %dma_start3A_36 = tpu.memref_slice %arg2[%dma_start3A_34, %dma_start3A_35] : memref<10240x128xf32, #tpu.memory_space<hbm>> -> memref<10240x128xf32, #tpu.memory_space<hbm>>
      %dma_start3A_37 = arith.constant -1 : i32
      %dma_start3A_38 = tpu.memref_slice %arg10[%scan3A_27] : memref<3x!tpu.dma_semaphore, #tpu.memory_space<semaphore_mem>> -> memref<1x!tpu.dma_semaphore, #tpu.memory_space<semaphore_mem>>
      %dma_start3A_39 = tpu.memref_squeeze %dma_start3A_38 : memref<1x!tpu.dma_semaphore, #tpu.memory_space<semaphore_mem>> -> memref<!tpu.dma_semaphore, #tpu.memory_space<semaphore_mem>>
      tpu.enqueue_indirect_dma source(%dma_start3A_36 : memref<10240x128xf32, #tpu.memory_space<hbm>>) target(%dma_start3A_30 : memref<128x128xf32, #tpu.memory_space<vmem>>) offsets(%dma_start3A_33 : memref<128xi32, #tpu.memory_space<vmem>>) offset_filter(%dma_start3A_37) semaphore(%dma_start3A_39 : memref<!tpu.dma_semaphore, #tpu.memory_space<semaphore_mem>>)
    }
    %scan3A_8 = arith.constant 3 : i32
    %scan3A_9 = arith.constant 0 : i32
    %scan3A_10 = arith.constant 157 : i32
    %scan3A_11 = arith.addi %scan3A_9, %scan3A_10 : i32
    %scan3A_12 = arith.constant 1 : i32
    scf.for %scan3A_27 = %scan3A_9 to %scan3A_11 step %scan3A_12  : i32 {
      %rem3A = arith.constant 3 : i32
      %rem3A_28 = arith.remsi %scan3A_27, %rem3A : i32
      %dma_wait3A = arith.constant 0 : i32
      %dma_wait3A_29 = arith.constant 0 : i32
      %dma_wait3A_30 = tpu.memref_slice %arg8[%rem3A_28, %dma_wait3A, %dma_wait3A_29] : memref<3x128x128xf32, #tpu.memory_space<vmem>> -> memref<1x128x128xf32, #tpu.memory_space<vmem>>
      %dma_wait3A_31 = tpu.memref_squeeze %dma_wait3A_30 : memref<1x128x128xf32, #tpu.memory_space<vmem>> -> memref<128x128xf32, #tpu.memory_space<vmem>>
      %dma_wait3A_32 = arith.constant 0 : i32
      %dma_wait3A_33 = tpu.memref_slice %arg6[%scan3A_27, %dma_wait3A_32] : memref<160x128xi32, #tpu.memory_space<vmem>> -> memref<1x128xi32, #tpu.memory_space<vmem>>
      %dma_wait3A_34 = tpu.memref_squeeze %dma_wait3A_33 : memref<1x128xi32, #tpu.memory_space<vmem>> -> memref<128xi32, #tpu.memory_space<vmem>>
      %dma_wait3A_35 = arith.constant 0 : i32
      %dma_wait3A_36 = arith.constant 0 : i32
      %dma_wait3A_37 = tpu.memref_slice %arg2[%dma_wait3A_35, %dma_wait3A_36] : memref<10240x128xf32, #tpu.memory_space<hbm>> -> memref<10240x128xf32, #tpu.memory_space<hbm>>
      %dma_wait3A_38 = tpu.memref_slice %arg10[%rem3A_28] : memref<3x!tpu.dma_semaphore, #tpu.memory_space<semaphore_mem>> -> memref<1x!tpu.dma_semaphore, #tpu.memory_space<semaphore_mem>>
      %dma_wait3A_39 = tpu.memref_squeeze %dma_wait3A_38 : memref<1x!tpu.dma_semaphore, #tpu.memory_space<semaphore_mem>> -> memref<!tpu.dma_semaphore, #tpu.memory_space<semaphore_mem>>
      tpu.wait_indirect_dma semaphore(%dma_wait3A_39 : memref<!tpu.dma_semaphore, #tpu.memory_space<semaphore_mem>>) src(%dma_wait3A_37 : memref<10240x128xf32, #tpu.memory_space<hbm>>) dst(%dma_wait3A_31 : memref<128x128xf32, #tpu.memory_space<vmem>>)
      %dma_start3A = arith.constant 0 : i32
      %dma_start3A_40 = arith.constant 0 : i32
      %dma_start3A_41 = tpu.memref_slice %arg8[%rem3A_28, %dma_start3A, %dma_start3A_40] : memref<3x128x128xf32, #tpu.memory_space<vmem>> -> memref<1x128x128xf32, #tpu.memory_space<vmem>>
      %dma_start3A_42 = tpu.memref_squeeze %dma_start3A_41 : memref<1x128x128xf32, #tpu.memory_space<vmem>> -> memref<128x128xf32, #tpu.memory_space<vmem>>
      %dma_start3A_43 = arith.constant 0 : i32
      %dma_start3A_44 = tpu.memref_slice %arg7[%scan3A_27, %dma_start3A_43] : memref<160x128xi32, #tpu.memory_space<vmem>> -> memref<1x128xi32, #tpu.memory_space<vmem>>
      %dma_start3A_45 = tpu.memref_squeeze %dma_start3A_44 : memref<1x128xi32, #tpu.memory_space<vmem>> -> memref<128xi32, #tpu.memory_space<vmem>>
      %dma_start3A_46 = arith.constant 0 : i32
      %dma_start3A_47 = arith.constant 0 : i32
      %dma_start3A_48 = tpu.memref_slice %arg9[%dma_start3A_46, %dma_start3A_47] : memref<5120x128xf32, #tpu.memory_space<vmem_shared>> -> memref<5120x128xf32, #tpu.memory_space<vmem_shared>>
      %dma_start3A_49 = arith.constant -1 : i32
      %dma_start3A_50 = tpu.memref_slice %arg11[%rem3A_28] : memref<3x!tpu.dma_semaphore, #tpu.memory_space<semaphore_mem>> -> memref<1x!tpu.dma_semaphore, #tpu.memory_space<semaphore_mem>>
      %dma_start3A_51 = tpu.memref_squeeze %dma_start3A_50 : memref<1x!tpu.dma_semaphore, #tpu.memory_space<semaphore_mem>> -> memref<!tpu.dma_semaphore, #tpu.memory_space<semaphore_mem>>
      tpu.enqueue_indirect_dma source(%dma_start3A_42 : memref<128x128xf32, #tpu.memory_space<vmem>>) target(%dma_start3A_48 : memref<5120x128xf32, #tpu.memory_space<vmem_shared>>) offsets(%dma_start3A_45 : memref<128xi32, #tpu.memory_space<vmem>>) offset_filter(%dma_start3A_49) semaphore(%dma_start3A_51 : memref<!tpu.dma_semaphore, #tpu.memory_space<semaphore_mem>>) {add = true}
      %dma_wait3A_52 = arith.constant 0 : i32
      %dma_wait3A_53 = arith.constant 0 : i32
      %dma_wait3A_54 = tpu.memref_slice %arg8[%rem3A_28, %dma_wait3A_52, %dma_wait3A_53] : memref<3x128x128xf32, #tpu.memory_space<vmem>> -> memref<1x128x128xf32, #tpu.memory_space<vmem>>
      %dma_wait3A_55 = tpu.memref_squeeze %dma_wait3A_54 : memref<1x128x128xf32, #tpu.memory_space<vmem>> -> memref<128x128xf32, #tpu.memory_space<vmem>>
      %dma_wait3A_56 = arith.constant 0 : i32
      %dma_wait3A_57 = tpu.memref_slice %arg7[%scan3A_27, %dma_wait3A_56] : memref<160x128xi32, #tpu.memory_space<vmem>> -> memref<1x128xi32, #tpu.memory_space<vmem>>
      %dma_wait3A_58 = tpu.memref_squeeze %dma_wait3A_57 : memref<1x128xi32, #tpu.memory_space<vmem>> -> memref<128xi32, #tpu.memory_space<vmem>>
      %dma_wait3A_59 = arith.constant 0 : i32
      %dma_wait3A_60 = arith.constant 0 : i32
      %dma_wait3A_61 = tpu.memref_slice %arg9[%dma_wait3A_59, %dma_wait3A_60] : memref<5120x128xf32, #tpu.memory_space<vmem_shared>> -> memref<5120x128xf32, #tpu.memory_space<vmem_shared>>
      %dma_wait3A_62 = tpu.memref_slice %arg11[%rem3A_28] : memref<3x!tpu.dma_semaphore, #tpu.memory_space<semaphore_mem>> -> memref<1x!tpu.dma_semaphore, #tpu.memory_space<semaphore_mem>>
      %dma_wait3A_63 = tpu.memref_squeeze %dma_wait3A_62 : memref<1x!tpu.dma_semaphore, #tpu.memory_space<semaphore_mem>> -> memref<!tpu.dma_semaphore, #tpu.memory_space<semaphore_mem>>
      tpu.wait_indirect_dma semaphore(%dma_wait3A_63 : memref<!tpu.dma_semaphore, #tpu.memory_space<semaphore_mem>>) src(%dma_wait3A_55 : memref<128x128xf32, #tpu.memory_space<vmem>>) dst(%dma_wait3A_61 : memref<5120x128xf32, #tpu.memory_space<vmem_shared>>)
      %add3A_64 = arith.constant 3 : i32
      %add3A_65 = arith.addi %scan3A_27, %add3A_64 : i32
      %dma_start3A_66 = arith.constant 0 : i32
      %dma_start3A_67 = arith.constant 0 : i32
      %dma_start3A_68 = tpu.memref_slice %arg8[%rem3A_28, %dma_start3A_66, %dma_start3A_67] : memref<3x128x128xf32, #tpu.memory_space<vmem>> -> memref<1x128x128xf32, #tpu.memory_space<vmem>>
      %dma_start3A_69 = tpu.memref_squeeze %dma_start3A_68 : memref<1x128x128xf32, #tpu.memory_space<vmem>> -> memref<128x128xf32, #tpu.memory_space<vmem>>
      %dma_start3A_70 = arith.constant 0 : i32
      %dma_start3A_71 = tpu.memref_slice %arg6[%add3A_65, %dma_start3A_70] : memref<160x128xi32, #tpu.memory_space<vmem>> -> memref<1x128xi32, #tpu.memory_space<vmem>>
      %dma_start3A_72 = tpu.memref_squeeze %dma_start3A_71 : memref<1x128xi32, #tpu.memory_space<vmem>> -> memref<128xi32, #tpu.memory_space<vmem>>
      %dma_start3A_73 = arith.constant 0 : i32
      %dma_start3A_74 = arith.constant 0 : i32
      %dma_start3A_75 = tpu.memref_slice %arg2[%dma_start3A_73, %dma_start3A_74] : memref<10240x128xf32, #tpu.memory_space<hbm>> -> memref<10240x128xf32, #tpu.memory_space<hbm>>
      %dma_start3A_76 = arith.constant -1 : i32
      %dma_start3A_77 = tpu.memref_slice %arg10[%rem3A_28] : memref<3x!tpu.dma_semaphore, #tpu.memory_space<semaphore_mem>> -> memref<1x!tpu.dma_semaphore, #tpu.memory_space<semaphore_mem>>
      %dma_start3A_78 = tpu.memref_squeeze %dma_start3A_77 : memref<1x!tpu.dma_semaphore, #tpu.memory_space<semaphore_mem>> -> memref<!tpu.dma_semaphore, #tpu.memory_space<semaphore_mem>>
      tpu.enqueue_indirect_dma source(%dma_start3A_75 : memref<10240x128xf32, #tpu.memory_space<hbm>>) target(%dma_start3A_69 : memref<128x128xf32, #tpu.memory_space<vmem>>) offsets(%dma_start3A_72 : memref<128xi32, #tpu.memory_space<vmem>>) offset_filter(%dma_start3A_76) semaphore(%dma_start3A_78 : memref<!tpu.dma_semaphore, #tpu.memory_space<semaphore_mem>>)
    }
    %scan3A_13 = arith.constant 157 : i32
    %scan3A_14 = arith.constant 157 : i32
    %scan3A_15 = arith.constant 3 : i32
    %scan3A_16 = arith.addi %scan3A_14, %scan3A_15 : i32
    %scan3A_17 = arith.constant 1 : i32
    scf.for %scan3A_27 = %scan3A_14 to %scan3A_16 step %scan3A_17  : i32 {
      %rem3A = arith.constant 3 : i32
      %rem3A_28 = arith.remsi %scan3A_27, %rem3A : i32
      %dma_wait3A = arith.constant 0 : i32
      %dma_wait3A_29 = arith.constant 0 : i32
      %dma_wait3A_30 = tpu.memref_slice %arg8[%rem3A_28, %dma_wait3A, %dma_wait3A_29] : memref<3x128x128xf32, #tpu.memory_space<vmem>> -> memref<1x128x128xf32, #tpu.memory_space<vmem>>
      %dma_wait3A_31 = tpu.memref_squeeze %dma_wait3A_30 : memref<1x128x128xf32, #tpu.memory_space<vmem>> -> memref<128x128xf32, #tpu.memory_space<vmem>>
      %dma_wait3A_32 = arith.constant 0 : i32
      %dma_wait3A_33 = tpu.memref_slice %arg6[%scan3A_27, %dma_wait3A_32] : memref<160x128xi32, #tpu.memory_space<vmem>> -> memref<1x128xi32, #tpu.memory_space<vmem>>
      %dma_wait3A_34 = tpu.memref_squeeze %dma_wait3A_33 : memref<1x128xi32, #tpu.memory_space<vmem>> -> memref<128xi32, #tpu.memory_space<vmem>>
      %dma_wait3A_35 = arith.constant 0 : i32
      %dma_wait3A_36 = arith.constant 0 : i32
      %dma_wait3A_37 = tpu.memref_slice %arg2[%dma_wait3A_35, %dma_wait3A_36] : memref<10240x128xf32, #tpu.memory_space<hbm>> -> memref<10240x128xf32, #tpu.memory_space<hbm>>
      %dma_wait3A_38 = tpu.memref_slice %arg10[%rem3A_28] : memref<3x!tpu.dma_semaphore, #tpu.memory_space<semaphore_mem>> -> memref<1x!tpu.dma_semaphore, #tpu.memory_space<semaphore_mem>>
      %dma_wait3A_39 = tpu.memref_squeeze %dma_wait3A_38 : memref<1x!tpu.dma_semaphore, #tpu.memory_space<semaphore_mem>> -> memref<!tpu.dma_semaphore, #tpu.memory_space<semaphore_mem>>
      tpu.wait_indirect_dma semaphore(%dma_wait3A_39 : memref<!tpu.dma_semaphore, #tpu.memory_space<semaphore_mem>>) src(%dma_wait3A_37 : memref<10240x128xf32, #tpu.memory_space<hbm>>) dst(%dma_wait3A_31 : memref<128x128xf32, #tpu.memory_space<vmem>>)
      %dma_start3A = arith.constant 0 : i32
      %dma_start3A_40 = arith.constant 0 : i32
      %dma_start3A_41 = tpu.memref_slice %arg8[%rem3A_28, %dma_start3A, %dma_start3A_40] : memref<3x128x128xf32, #tpu.memory_space<vmem>> -> memref<1x128x128xf32, #tpu.memory_space<vmem>>
      %dma_start3A_42 = tpu.memref_squeeze %dma_start3A_41 : memref<1x128x128xf32, #tpu.memory_space<vmem>> -> memref<128x128xf32, #tpu.memory_space<vmem>>
      %dma_start3A_43 = arith.constant 0 : i32
      %dma_start3A_44 = tpu.memref_slice %arg7[%scan3A_27, %dma_start3A_43] : memref<160x128xi32, #tpu.memory_space<vmem>> -> memref<1x128xi32, #tpu.memory_space<vmem>>
      %dma_start3A_45 = tpu.memref_squeeze %dma_start3A_44 : memref<1x128xi32, #tpu.memory_space<vmem>> -> memref<128xi32, #tpu.memory_space<vmem>>
      %dma_start3A_46 = arith.constant 0 : i32
      %dma_start3A_47 = arith.constant 0 : i32
      %dma_start3A_48 = tpu.memref_slice %arg9[%dma_start3A_46, %dma_start3A_47] : memref<5120x128xf32, #tpu.memory_space<vmem_shared>> -> memref<5120x128xf32, #tpu.memory_space<vmem_shared>>
      %dma_start3A_49 = arith.constant -1 : i32
      %dma_start3A_50 = tpu.memref_slice %arg11[%rem3A_28] : memref<3x!tpu.dma_semaphore, #tpu.memory_space<semaphore_mem>> -> memref<1x!tpu.dma_semaphore, #tpu.memory_space<semaphore_mem>>
      %dma_start3A_51 = tpu.memref_squeeze %dma_start3A_50 : memref<1x!tpu.dma_semaphore, #tpu.memory_space<semaphore_mem>> -> memref<!tpu.dma_semaphore, #tpu.memory_space<semaphore_mem>>
      tpu.enqueue_indirect_dma source(%dma_start3A_42 : memref<128x128xf32, #tpu.memory_space<vmem>>) target(%dma_start3A_48 : memref<5120x128xf32, #tpu.memory_space<vmem_shared>>) offsets(%dma_start3A_45 : memref<128xi32, #tpu.memory_space<vmem>>) offset_filter(%dma_start3A_49) semaphore(%dma_start3A_51 : memref<!tpu.dma_semaphore, #tpu.memory_space<semaphore_mem>>) {add = true}
      %dma_wait3A_52 = arith.constant 0 : i32
      %dma_wait3A_53 = arith.constant 0 : i32
      %dma_wait3A_54 = tpu.memref_slice %arg8[%rem3A_28, %dma_wait3A_52, %dma_wait3A_53] : memref<3x128x128xf32, #tpu.memory_space<vmem>> -> memref<1x128x128xf32, #tpu.memory_space<vmem>>
      %dma_wait3A_55 = tpu.memref_squeeze %dma_wait3A_54 : memref<1x128x128xf32, #tpu.memory_space<vmem>> -> memref<128x128xf32, #tpu.memory_space<vmem>>
      %dma_wait3A_56 = arith.constant 0 : i32
      %dma_wait3A_57 = tpu.memref_slice %arg7[%scan3A_27, %dma_wait3A_56] : memref<160x128xi32, #tpu.memory_space<vmem>> -> memref<1x128xi32, #tpu.memory_space<vmem>>
      %dma_wait3A_58 = tpu.memref_squeeze %dma_wait3A_57 : memref<1x128xi32, #tpu.memory_space<vmem>> -> memref<128xi32, #tpu.memory_space<vmem>>
      %dma_wait3A_59 = arith.constant 0 : i32
      %dma_wait3A_60 = arith.constant 0 : i32
      %dma_wait3A_61 = tpu.memref_slice %arg9[%dma_wait3A_59, %dma_wait3A_60] : memref<5120x128xf32, #tpu.memory_space<vmem_shared>> -> memref<5120x128xf32, #tpu.memory_space<vmem_shared>>
      %dma_wait3A_62 = tpu.memref_slice %arg11[%rem3A_28] : memref<3x!tpu.dma_semaphore, #tpu.memory_space<semaphore_mem>> -> memref<1x!tpu.dma_semaphore, #tpu.memory_space<semaphore_mem>>
      %dma_wait3A_63 = tpu.memref_squeeze %dma_wait3A_62 : memref<1x!tpu.dma_semaphore, #tpu.memory_space<semaphore_mem>> -> memref<!tpu.dma_semaphore, #tpu.memory_space<semaphore_mem>>
      tpu.wait_indirect_dma semaphore(%dma_wait3A_63 : memref<!tpu.dma_semaphore, #tpu.memory_space<semaphore_mem>>) src(%dma_wait3A_55 : memref<128x128xf32, #tpu.memory_space<vmem>>) dst(%dma_wait3A_61 : memref<5120x128xf32, #tpu.memory_space<vmem_shared>>)
    }
    %scan3A_18 = arith.constant 3 : i32
    %barrier3A_19 = arith.constant 0 : index
    tpu.barrier barrier_id(%barrier3A_19)
    %mul3A_20 = arith.constant 320 : i32
    %mul3A_21 = arith.muli %arg1, %mul3A_20 : i32
    %mul3A_22 = arith.constant 5120 : i32
    %mul3A_23 = arith.muli %arg0, %mul3A_22 : i32
    %mul3A_24 = arith.constant 320 : i32
    %mul3A_25 = arith.muli %arg1, %mul3A_24 : i32
    %add3A_26 = arith.addi %mul3A_23, %mul3A_25 : i32
    "tpu.region"() ({
      %run_scoped3A = tpu.sem_alloc : memref<!tpu.dma_semaphore, #tpu.memory_space<semaphore_mem>>
      %dma_start3A = arith.constant 0 : i32
      %dma_start3A_27 = tpu.memref_slice %arg5[%add3A_26, %dma_start3A] : memref<10240x128xf32, #tpu.memory_space<hbm>> -> memref<320x128xf32, #tpu.memory_space<hbm>>
      %dma_start3A_28 = arith.constant 0 : i32
      %dma_start3A_29 = tpu.memref_slice %arg9[%mul3A_21, %dma_start3A_28] : memref<5120x128xf32, #tpu.memory_space<vmem_shared>> -> memref<320x128xf32, #tpu.memory_space<vmem_shared>>
      tpu.enqueue_dma source(%dma_start3A_29 : memref<320x128xf32, #tpu.memory_space<vmem_shared>>) target(%dma_start3A_27 : memref<320x128xf32, #tpu.memory_space<hbm>>) target_semaphore(%run_scoped3A : memref<!tpu.dma_semaphore, #tpu.memory_space<semaphore_mem>>)
      %dma_wait3A = arith.constant 0 : i32
      %dma_wait3A_30 = tpu.memref_slice %arg5[%add3A_26, %dma_wait3A] : memref<10240x128xf32, #tpu.memory_space<hbm>> -> memref<320x128xf32, #tpu.memory_space<hbm>>
      %dma_wait3A_31 = arith.constant 0 : i32
      %dma_wait3A_32 = tpu.memref_slice %arg9[%mul3A_21, %dma_wait3A_31] : memref<5120x128xf32, #tpu.memory_space<vmem_shared>> -> memref<320x128xf32, #tpu.memory_space<vmem_shared>>
      tpu.wait_dma2 semaphore(%run_scoped3A : memref<!tpu.dma_semaphore, #tpu.memory_space<semaphore_mem>>) src(%dma_wait3A_32 : memref<320x128xf32, #tpu.memory_space<vmem_shared>>) dst(%dma_wait3A_30 : memref<320x128xf32, #tpu.memory_space<hbm>>)
      tpu.yield
    }) : () -> ()
    return
  }
}

module attributes {stable_mosaic.version = 14 : i64} {
  func.func @_tc1_body(%arg0: i32, %arg1: memref<1024x128xf32, #tpu.memory_space<vmem>>, %arg2: memref<128x128xf32, #tpu.memory_space<vmem>>, %arg3: memref<1024x128xf32, #tpu.memory_space<vmem>>, %arg4: memref<1024x128xf32, #tpu.memory_space<vmem>>) attributes {dimension_semantics = [#tpu.dimension_semantics<arbitrary>], iteration_bounds = array<i64: 10>, scalar_prefetch = 0 : i64, scratch_operands = 0 : i64, tpu.core_type = #tpu.core_type<tc>, window_params = [{transform_indices = @transform_0, window_bounds = array<i64: 1024, 128>}, {pipeline_mode = #tpu.pipeline_mode<synchronous>, transform_indices = @transform_1, window_bounds = array<i64: 128, 128>}, {transform_indices = @transform_2, window_bounds = array<i64: 1024, 128>}, {transform_indices = @transform_3, window_bounds = array<i64: 1024, 128>}]} {
    %get3A = arith.constant 0 : index
    %get3A_0 = arith.constant 0 : index
    %get3A_1 = vector.load %arg3[%get3A, %get3A_0] : memref<1024x128xf32, #tpu.memory_space<vmem>>, vector<1024x1xf32>
    %add3A = arith.constant 1.000000e+00 : f32
    %add3A_2 = vector.broadcast %add3A : f32 to vector<1024x1xf32>
    %add3A_3 = arith.addf %get3A_1, %add3A_2 : vector<1024x1xf32>
    %rsqrt3A = math.rsqrt %add3A_3 : vector<1024x1xf32>
    %get3A_4 = arith.constant 0 : index
    %get3A_5 = arith.constant 0 : index
    %get3A_6 = vector.load %arg1[%get3A_4, %get3A_5] : memref<1024x128xf32, #tpu.memory_space<vmem>>, vector<1024x128xf32>
    %get3A_7 = arith.constant 0 : index
    %get3A_8 = arith.constant 0 : index
    %get3A_9 = vector.load %arg2[%get3A_7, %get3A_8] : memref<128x128xf32, #tpu.memory_space<vmem>>, vector<128x128xf32>
    %dot_general3A = arith.constant dense<0.000000e+00> : vector<1024x128xf32>
    %dot_general3A_10 = tpu.matmul %get3A_6, %get3A_9, %dot_general3A {dimension_numbers = #tpu.dot_dimension_numbers<[1], [0], [0], [1], [0, 0, 1, 1], [], []>, transpose_lhs_hint = false} : vector<1024x128xf32>, vector<128x128xf32>, vector<1024x128xf32> -> vector<1024x128xf32>
    %mul3A = vector.broadcast %rsqrt3A : vector<1024x1xf32> to vector<1024x128xf32>
    %mul3A_11 = arith.mulf %dot_general3A_10, %mul3A : vector<1024x128xf32>
    %swap3A = arith.constant 0 : index
    %swap3A_12 = arith.constant 0 : index
    %swap3A_13 = vector.load %arg4[%swap3A, %swap3A_12] : memref<1024x128xf32, #tpu.memory_space<vmem>>, vector<1024x128xf32>
    tpu.vector_store %arg4[%swap3A, %swap3A_12], %mul3A_11 {strides = array<i32>} : memref<1024x128xf32, #tpu.memory_space<vmem>>, vector<1024x128xf32>,
    return
  }
  func.func @transform_0(%arg0: i32) -> (i32, i32) {
    %c0_i32 = arith.constant 0 : i32
    %c0_i32_0 = arith.constant 0 : i32
    return %arg0, %c0_i32 : i32, i32
  }
  func.func @transform_1(%arg0: i32) -> (i32, i32) {
    %c0_i32 = arith.constant 0 : i32
    %c0_i32_0 = arith.constant 0 : i32
    %c0_i32_1 = arith.constant 0 : i32
    return %c0_i32, %c0_i32_0 : i32, i32
  }
  func.func @transform_2(%arg0: i32) -> (i32, i32) {
    %c0_i32 = arith.constant 0 : i32
    %c0_i32_0 = arith.constant 0 : i32
    return %arg0, %c0_i32 : i32, i32
  }
  func.func @transform_3(%arg0: i32) -> (i32, i32) {
    %c0_i32 = arith.constant 0 : i32
    %c0_i32_0 = arith.constant 0 : i32
    return %arg0, %c0_i32 : i32, i32
  }
}

module attributes {stable_mosaic.version = 14 : i64} {
  func.func @_tc2_body(%arg0: i32, %arg1: memref<1024x128xf32, #tpu.memory_space<vmem>>, %arg2: memref<1024x128xf32, #tpu.memory_space<vmem>>, %arg3: memref<1x128xf32, #tpu.memory_space<vmem>>, %arg4: memref<128x128xf32, #tpu.memory_space<vmem>>, %arg5: memref<1024x128xf32, #tpu.memory_space<vmem>>) attributes {dimension_semantics = [#tpu.dimension_semantics<arbitrary>], iteration_bounds = array<i64: 10>, scalar_prefetch = 0 : i64, scratch_operands = 0 : i64, tpu.core_type = #tpu.core_type<tc>, window_params = [{transform_indices = @transform_0, window_bounds = array<i64: 1024, 128>}, {transform_indices = @transform_1, window_bounds = array<i64: 1024, 128>}, {pipeline_mode = #tpu.pipeline_mode<synchronous>, transform_indices = @transform_2, window_bounds = array<i64: 1, 128>}, {pipeline_mode = #tpu.pipeline_mode<synchronous>, transform_indices = @transform_3, window_bounds = array<i64: 128, 128>}, {transform_indices = @transform_4, window_bounds = array<i64: 1024, 128>}]} {
    %get3A = arith.constant 0 : index
    %get3A_0 = arith.constant 0 : index
    %get3A_1 = vector.load %arg2[%get3A, %get3A_0] : memref<1024x128xf32, #tpu.memory_space<vmem>>, vector<1024x1xf32>
    %add3A = arith.constant 1.000000e+00 : f32
    %add3A_2 = vector.broadcast %add3A : f32 to vector<1024x1xf32>
    %add3A_3 = arith.addf %get3A_1, %add3A_2 : vector<1024x1xf32>
    %rsqrt3A = math.rsqrt %add3A_3 : vector<1024x1xf32>
    %get3A_4 = arith.constant 0 : index
    %get3A_5 = arith.constant 0 : index
    %get3A_6 = vector.load %arg1[%get3A_4, %get3A_5] : memref<1024x128xf32, #tpu.memory_space<vmem>>, vector<1024x128xf32>
    %mul3A = vector.broadcast %rsqrt3A : vector<1024x1xf32> to vector<1024x128xf32>
    %mul3A_7 = arith.mulf %mul3A, %get3A_6 : vector<1024x128xf32>
    %get3A_8 = arith.constant 0 : index
    %get3A_9 = arith.constant 0 : index
    %get3A_10 = vector.load %arg3[%get3A_8, %get3A_9] : memref<1x128xf32, #tpu.memory_space<vmem>>, vector<1x128xf32>
    %add3A_11 = vector.broadcast %get3A_10 : vector<1x128xf32> to vector<1024x128xf32>
    %add3A_12 = arith.addf %mul3A_7, %add3A_11 : vector<1024x128xf32>
    %max3A = arith.constant 0.000000e+00 : f32
    %max3A_13 = vector.broadcast %max3A : f32 to vector<1024x128xf32>
    %max3A_14 = arith.maximumf %add3A_12, %max3A_13 : vector<1024x128xf32>
    %get3A_15 = arith.constant 0 : index
    %get3A_16 = arith.constant 0 : index
    %get3A_17 = vector.load %arg4[%get3A_15, %get3A_16] : memref<128x128xf32, #tpu.memory_space<vmem>>, vector<128x128xf32>
    %dot_general3A = arith.constant dense<0.000000e+00> : vector<1024x128xf32>
    %dot_general3A_18 = tpu.matmul %max3A_14, %get3A_17, %dot_general3A {dimension_numbers = #tpu.dot_dimension_numbers<[1], [0], [0], [1], [0, 0, 1, 1], [], []>, transpose_lhs_hint = false} : vector<1024x128xf32>, vector<128x128xf32>, vector<1024x128xf32> -> vector<1024x128xf32>
    %mul3A_19 = vector.broadcast %rsqrt3A : vector<1024x1xf32> to vector<1024x128xf32>
    %mul3A_20 = arith.mulf %mul3A_19, %dot_general3A_18 : vector<1024x128xf32>
    %swap3A = arith.constant 0 : index
    %swap3A_21 = arith.constant 0 : index
    %swap3A_22 = vector.load %arg5[%swap3A, %swap3A_21] : memref<1024x128xf32, #tpu.memory_space<vmem>>, vector<1024x128xf32>
    tpu.vector_store %arg5[%swap3A, %swap3A_21], %mul3A_20 {strides = array<i32>} : memref<1024x128xf32, #tpu.memory_space<vmem>>, vector<1024x128xf32>,
    return
  }
  func.func @transform_0(%arg0: i32) -> (i32, i32) {
    %c0_i32 = arith.constant 0 : i32
    %c0_i32_0 = arith.constant 0 : i32
    return %arg0, %c0_i32 : i32, i32
  }
  func.func @transform_1(%arg0: i32) -> (i32, i32) {
    %c0_i32 = arith.constant 0 : i32
    %c0_i32_0 = arith.constant 0 : i32
    return %arg0, %c0_i32 : i32, i32
  }
  func.func @transform_2(%arg0: i32) -> (i32, i32) {
    %c0_i32 = arith.constant 0 : i32
    %c0_i32_0 = arith.constant 0 : i32
    %c0_i32_1 = arith.constant 0 : i32
    return %c0_i32, %c0_i32_0 : i32, i32
  }
  func.func @transform_3(%arg0: i32) -> (i32, i32) {
    %c0_i32 = arith.constant 0 : i32
    %c0_i32_0 = arith.constant 0 : i32
    %c0_i32_1 = arith.constant 0 : i32
    return %c0_i32, %c0_i32_0 : i32, i32
  }
  func.func @transform_4(%arg0: i32) -> (i32, i32) {
    %c0_i32 = arith.constant 0 : i32
    %c0_i32_0 = arith.constant 0 : i32
    return %arg0, %c0_i32 : i32, i32
  }
}

module attributes {stable_mosaic.version = 14 : i64} {
  func.func @_tc3_body(%arg0: i32, %arg1: memref<1024x128xf32, #tpu.memory_space<vmem>>, %arg2: memref<1024x128xf32, #tpu.memory_space<vmem>>, %arg3: memref<1x128xf32, #tpu.memory_space<vmem>>, %arg4: memref<1024x128xf32, #tpu.memory_space<vmem>>) attributes {dimension_semantics = [#tpu.dimension_semantics<arbitrary>], iteration_bounds = array<i64: 10>, scalar_prefetch = 0 : i64, scratch_operands = 0 : i64, tpu.core_type = #tpu.core_type<tc>, window_params = [{transform_indices = @transform_0, window_bounds = array<i64: 1024, 128>}, {transform_indices = @transform_1, window_bounds = array<i64: 1024, 128>}, {pipeline_mode = #tpu.pipeline_mode<synchronous>, transform_indices = @transform_2, window_bounds = array<i64: 1, 128>}, {transform_indices = @transform_3, window_bounds = array<i64: 1024, 128>}]} {
    %get3A = arith.constant 0 : index
    %get3A_0 = arith.constant 0 : index
    %get3A_1 = vector.load %arg2[%get3A, %get3A_0] : memref<1024x128xf32, #tpu.memory_space<vmem>>, vector<1024x1xf32>
    %add3A = arith.constant 1.000000e+00 : f32
    %add3A_2 = vector.broadcast %add3A : f32 to vector<1024x1xf32>
    %add3A_3 = arith.addf %get3A_1, %add3A_2 : vector<1024x1xf32>
    %rsqrt3A = math.rsqrt %add3A_3 : vector<1024x1xf32>
    %get3A_4 = arith.constant 0 : index
    %get3A_5 = arith.constant 0 : index
    %get3A_6 = vector.load %arg1[%get3A_4, %get3A_5] : memref<1024x128xf32, #tpu.memory_space<vmem>>, vector<1024x128xf32>
    %mul3A = vector.broadcast %rsqrt3A : vector<1024x1xf32> to vector<1024x128xf32>
    %mul3A_7 = arith.mulf %mul3A, %get3A_6 : vector<1024x128xf32>
    %get3A_8 = arith.constant 0 : index
    %get3A_9 = arith.constant 0 : index
    %get3A_10 = vector.load %arg3[%get3A_8, %get3A_9] : memref<1x128xf32, #tpu.memory_space<vmem>>, vector<1x128xf32>
    %add3A_11 = vector.broadcast %get3A_10 : vector<1x128xf32> to vector<1024x128xf32>
    %add3A_12 = arith.addf %mul3A_7, %add3A_11 : vector<1024x128xf32>
    %swap3A = arith.constant 0 : index
    %swap3A_13 = arith.constant 0 : index
    %swap3A_14 = vector.load %arg4[%swap3A, %swap3A_13] : memref<1024x128xf32, #tpu.memory_space<vmem>>, vector<1024x128xf32>
    tpu.vector_store %arg4[%swap3A, %swap3A_13], %add3A_12 {strides = array<i32>} : memref<1024x128xf32, #tpu.memory_space<vmem>>, vector<1024x128xf32>,
    return
  }
  func.func @transform_0(%arg0: i32) -> (i32, i32) {
    %c0_i32 = arith.constant 0 : i32
    %c0_i32_0 = arith.constant 0 : i32
    return %arg0, %c0_i32 : i32, i32
  }
  func.func @transform_1(%arg0: i32) -> (i32, i32) {
    %c0_i32 = arith.constant 0 : i32
    %c0_i32_0 = arith.constant 0 : i32
    return %arg0, %c0_i32 : i32, i32
  }
  func.func @transform_2(%arg0: i32) -> (i32, i32) {
    %c0_i32 = arith.constant 0 : i32
    %c0_i32_0 = arith.constant 0 : i32
    %c0_i32_1 = arith.constant 0 : i32
    return %c0_i32, %c0_i32_0 : i32, i32
  }
  func.func @transform_3(%arg0: i32) -> (i32, i32) {
    %c0_i32 = arith.constant 0 : i32
    %c0_i32_0 = arith.constant 0 : i32
    return %arg0, %c0_i32 : i32, i32
  }
}

</mosaic_0001>

<sc_bundles>
// kernel: kernel.11.cloned.1.call-start
scs
__scs_entry_jumppad:
0x0: {  	(pc) =	sbr.rel $0x88, $3  }
0x1: {  	(tag) =	ssettag $0x0;
	lr =	simm.s32 $0x1  }
0x2: {  	[smem:$0x3F9B] =	sst lr;
	_ =	strace $0xD0000000  }
0x3: {  	_ = 	snop  }
0x4: {  	_ = 	snop  }
0x5: {  	_ = 	snop  }
0x6: {  	_ = 	snop  }
0x7: {  	_ = 	snop  }
__scs_overlays_trampoline_lowered:
0x8: {  	[smem:$0x3FAA] =	sst s0  }
0x9: {  	[smem:$0x3FAB] =	sst s1  }
0xa: {  	[smem:$0x3FAC] =	sst s2  }
0xb: {  	[smem:$0x3FAD] =	sst s3  }
0xc: {  	[smem:$0x3FAE] =	sst s4  }
0xd: {  	[smem:$0x3FAF] =	sst s5  }
0xe: {  	[smem:$0x3FB0] =	sst s6  }
0xf: {  	[smem:$0x3FB1] =	sst s7  }
0x10: {  	[smem:$0x3FB2] =	sst s8  }
0x11: {  	[smem:$0x3FB3] =	sst s9;
	s0 =	simm.s32 @!p0 $0x0  }
0x12: {  	s1 =	sld [smem:$0x3F99];
	s0 =	simm.s32 @p0 $0x1  }
0x13: {  	[smem:$0x3FB4] =	sst s0;
	s0 =	simm.s32 @!p1 $0x0  }
0x14: {  	s2 =	sld [smem:$0x3F98];
	s0 =	simm.s32 @p1 $0x1  }
0x15: {  	[smem:$0x3FB5] =	sst s0;
	s0 =	simm.s32 @!p2 $0x0  }
0x16: {  	s3 =	sld [smem:$0x3FDB];
	s0 =	simm.s32 @p2 $0x1  }
0x17: {  	s4 =	simm.s32 $0x1BF5;
	[smem:$0x3FB7] =	sst s0  }
0x18: {  	s0 =	sld [smem:$0x3F9A];
	_ =	swait.ge [sflag:s4], $0x0  }
0x19: {  	s7 =	sld [smem:$0x3F9B]  }
0x1a: {  	s8 =	sadd.s32 $0xFFFFE003, lr  }
0x1b: {  	s9 =	sadd.s32 $0xFFFFFEF7, lr;
	s5 =	simm.s32 $0xFFFFFFFF;
	p2 =	slt.u32 s8, $0xFFFFF086  }
0x1c: {  	p1 =	slt.u32 s9, $0xF7A;
	s5 =	simm.s32 @!p2 $0x0  }
0x1d: {  	s5 =	simm.s32 @p1 $0x1;
	p0 =	seq.s32 s7, s2  }
0x1e: {  	s7 =	smul.u32 @!p0 $0xF7A, s2;
	p2 =	seq.s32 @!p0 s5, $0x0  }
0x1f: {  	s9 =	smul.u32 $0xF7A, s1;
	s8 =	simm.s32 @!p0 $0x1BF5;
	p2 =	por !p2, p0  }
0x20: {  	[sflag:s8] =	ssyncset.s32 @!p0 $0xFFFFF086;
	s6 =	sadd.s32 @!p0 s3, s7;
	s7 =	simm.s32 @!p0 $0x108  }
0x21: {  	s3 =	sadd.s32 s3, s9;
	s6 =	sadd.s32 @!p0 $0x88, s6;
	s7 =	simm.s32 @p2 $0x1082  }
0x22: {  	[simem:s7], [sflag:s8] =	dma.local @!p0 [hbm:s6], $0xF7A  }
0x23: {  	s9 =	sor.u32 $0xD0000000, s2;
	s6 =	simm.s32 $0x108;
	_ =	swait.ge @!p0 [sflag:s8], $0x0  }
0x24: {  	s3 =	sadd.s32 $0x88, s3;
	s6 =	simm.s32 @!p1 $0x1082;
	[sflag:s4] =	ssyncset.s32 $0xFFFFF086  }
0x25: {  	[simem:s6], [sflag:s4] =	dma.local [hbm:s3], $0xF7A  }
0x26: {  	[smem:$0x3F9B] =	sst s1;
	(tag) =	ssettag s2;
	_ =	strace s9  }
0x27: {  	s1 =	sld [smem:$0x3FAB]  }
0x28: {  	s2 =	sld [smem:$0x3FAC]  }
0x29: {  	s4 =	sld [smem:$0x3FAE]  }
0x2a: {  	p0 =	seq.s32 s5, $0x0;
	s5 =	sld [smem:$0x3FAF]  }
0x2b: {  	s6 =	sld [smem:$0x3FB0]  }
0x2c: {  	s7 =	sld [smem:$0x3FB1]  }
0x2d: {  	s3 =	simm.s32 $0x108;
	s8 =	sld [smem:$0x3FB2]  }
0x2e: {  	s3 =	simm.s32 @!p0 $0x1082;
	s9 =	sld [smem:$0x3FB3]  }
0x2f: {  	lr =	sadd.s32 s0, s3;
	s0 =	sld [smem:$0x3FAA]  }
0x30: {  	s3 =	sld [smem:$0x3FAD]  }
0x31: {  	[smem:$0x3FB6] =	sst s10  }
0x32: {  	s10 =	sld [smem:$0x3FB4];
	_ =	sdelay $0x3  }
0x33: {  	p0 =	seq.s32 s10, $0x1;
	s10 =	sld [smem:$0x3FB6];
	_ =	sdelay $0x3  }
0x34: {  	[smem:$0x3FB6] =	sst s10  }
0x35: {  	s10 =	sld [smem:$0x3FB5];
	_ =	sdelay $0x3  }
0x36: {  	p1 =	seq.s32 s10, $0x1;
	s10 =	sld [smem:$0x3FB6];
	_ =	sdelay $0x3  }
0x37: {  	[smem:$0x3FB6] =	sst s10  }
0x38: {  	s10 =	sld [smem:$0x3FB7]  }
0x39: {  	_ = 	snop;
	(pc) =	sbr.ind lr, $3  }
0x3a: {  	_ = 	snop  }
0x3b: {  	_ = 	snop  }
0x3c: {  	p2 =	seq.s32 s10, $0x1;
	s10 =	sld [smem:$0x3FB6]  }
0x3d: {  	_ =	shalt  }
0x3e: {  	_ =	shalt  }
0x3f: {  	_ =	shalt  }
0x40: {  	_ =	shalt  }
0x41: {  	_ =	shalt  }
0x42: {  	_ =	shalt  }
0x43: {  	_ =	shalt  }
0x44: {  	_ =	shalt  }
0x45: {  	_ =	shalt  }
0x46: {  	_ =	shalt  }
0x47: {  	_ =	shalt  }
0x48: {  	_ =	shalt  }
0x49: {  	_ =	shalt  }
0x4a: {  	_ =	shalt  }
0x4b: {  	_ =	shalt  }
0x4c: {  	_ =	shalt  }
0x4d: {  	_ =	shalt  }
0x4e: {  	_ =	shalt  }
0x4f: {  	_ =	shalt  }
0x50: {  	_ =	shalt  }
0x51: {  	_ =	shalt  }
0x52: {  	_ =	shalt  }
0x53: {  	_ =	shalt  }
0x54: {  	_ =	shalt  }
0x55: {  	_ =	shalt  }
0x56: {  	_ =	shalt  }
0x57: {  	_ =	shalt  }
0x58: {  	_ =	shalt  }
0x59: {  	_ =	shalt  }
0x5a: {  	_ =	shalt  }
0x5b: {  	_ =	shalt  }
0x5c: {  	_ =	shalt  }
0x5d: {  	_ =	shalt  }
0x5e: {  	_ =	shalt  }
0x5f: {  	_ =	shalt  }
0x60: {  	_ =	shalt  }
0x61: {  	_ =	shalt  }
0x62: {  	_ =	shalt  }
0x63: {  	_ =	shalt  }
0x64: {  	_ =	shalt  }
0x65: {  	_ =	shalt  }
0x66: {  	_ =	shalt  }
0x67: {  	_ =	shalt  }
0x68: {  	_ =	shalt  }
0x69: {  	_ =	shalt  }
0x6a: {  	_ =	shalt  }
0x6b: {  	_ =	shalt  }
0x6c: {  	_ =	shalt  }
0x6d: {  	_ =	shalt  }
0x6e: {  	_ =	shalt  }
0x6f: {  	_ =	shalt  }
0x70: {  	_ =	shalt  }
0x71: {  	_ =	shalt  }
0x72: {  	_ =	shalt  }
0x73: {  	_ =	shalt  }
0x74: {  	_ =	shalt  }
0x75: {  	_ =	shalt  }
0x76: {  	_ =	shalt  }
0x77: {  	_ =	shalt  }
0x78: {  	_ =	shalt  }
0x79: {  	_ =	shalt  }
0x7a: {  	_ =	shalt  }
0x7b: {  	_ =	shalt  }
0x7c: {  	_ =	shalt  }
0x7d: {  	_ =	shalt  }
0x7e: {  	_ =	shalt  }
0x7f: {  	_ =	shalt  }
0x80: {  	_ =	shalt  }
0x81: {  	_ =	shalt  }
0x82: {  	_ =	shalt  }
0x83: {  	_ =	shalt  }
0x84: {  	_ =	shalt  }
0x85: {  	_ =	shalt  }
0x86: {  	_ =	shalt  }
0x87: {  	_ =	shalt  }
.Lfunc_end0:
.L_simem_size_0:
called_computation.1_lowered:
.L_overlay_start_0:
0x88: {  	s2 =	sld [smem:$0x3FD9]  }
0x89: {  	s3 =	sld [smem:$0x3FFE];
	_ =	sdelay $0x1  }
0x8a: {  	s1 =	srdreg.scid  }
0x8b: {  	s0 =	sand.u32 $0x1, s1  }
0x8c: {  	s16 =	sshll.u32 s0, $0xA;
	s2 =	sadd.s32 s3, s2  }
0x8d: {  	s2 =	sadd.s32 s2, s16  }
0x8e: {  	[smem:$0x3FC2] =	sst s2  }
0x8f: {  	_ = 	snop  }
0x90: {  	(tm) =	ssettm $0x1  }
0x91: {  	s17 =	sld [smem:$0x3FFB];
	_ =	sdelay $0x3  }
0x92: {  	_ =	strace s17  }
0x93: {  	s2 =	sld [smem:$0x3FFC];
	_ =	sdelay $0x3  }
0x94: {  	_ =	strace s2  }
0x95: {  	s2 =	sld [smem:$0x3FFD];
	_ =	sdelay $0x3  }
0x96: {  	_ =	strace s2  }
0x97: {  	_ =	strace $0x8FFFFFFF  }
0x98: {  	s18 =	sld [smem:$0x3FDB];
	_ =	sdelay $0x1  }
0x99: {  	s19 =	simm.s32 $_scs_section_size  }
0x9a: {  	s4 =	simm.s32 $_size__tile_overlayer_lowered;
	s5 =	simm.s32 $_tile_overlayer_lowered  }
0x9b: {  	s22 =	simm.s32 $0x1BFF;
	s21 =	sshll.u32 s5, $0x1;
	s2 =	sadd.s32 s19, s18  }
0x9c: {  	s6 =	simm.s32 $0x0;
	s20 =	sshll.u32 s4, $0x1;
	s4 =	sadd.s32 s21, s2  }
0x9d: {  	[timem:s6], [sflag:s22] =	dma.local [hbm:s4], s20  }
0x9e: {  	_ =	swait.ge [sflag:s22], s20  }
0x9f: {  	s3 =	ssub.s32 $0x0, s20;
	[sflag:s22] =	ssyncset.done $0x0  }
0xa0: {  	[sflag:s22] =	ssyncadd.s32 s3;
	_ =	sdelay $0x1  }
0xa1: {  	s23 =	simm.s32 $0x1B8B  }
0xa2: {  	_ =	swait.ge [sflag:s23], $0x1  }
0xa3: {  	[sflag:s23] =	ssyncset.done $0x0  }
0xa4: {  	s25 =	simm.s32 $0x1B8E;
	s24 =	sld [smem:$0x3FFE];
	[sflag:s23] =	ssyncadd.s32 $0xFFFFFFFF  }
0xa5: {  	s26 =	simm.s32 $execute0_lowered;
	[smem:$0x3FD2] =	sst s25  }
0xa6: {  	s4 =	sshll.u32 s26, $0x1;
	_ =	strace $0x80000049;
	[dreg:$0x1] =	wrdreg $0xFFFFFFFF  }
0xa7: {  	s28 =	simm.s32 $_size_execute0_lowered;
	s2 =	sadd.s32 s2, s4;
	[dreg:$0x0] =	wrdreg $0x0  }
0xa8: {  	s4 =	sshll.u32 s28, $0x1;
	[dreg:$0x2] =	wrdreg s2  }
0xa9: {  	[dreg:$0x3] =	wrdreg s4  }
0xaa: {  	[dreg:$0x4] =	wrdreg $0xC0  }
0xab: {  	_ =	task [dreg:s6], $0x5FFFF  }
0xac: {  	[dreg:$0x1] =	wrdreg $0xFFFFFFFF  }
0xad: {  	[dreg:$0x0] =	wrdreg $0x60  }
0xae: {  	[dreg:$0x2] =	wrdreg s24  }
0xaf: {  	[dreg:$0x3] =	wrdreg $0x160000  }
0xb0: {  	[dreg:$0x4] =	wrdreg $0x9  }
0xb1: {  	_ =	task.clear_ibuf [dreg:s6], $0x5FFFF;
	_ =	strace $0x90000049  }
0xb2: {  	s29 =	simm.s32 $0x9;
	_ =	strace $0x8000004B  }
0xb3: {  	_ =	swait.ge [sflag:s29], $0x1  }
0xb4: {  	[sflag:s29] =	ssyncadd.s32 $0xFFFFFFFF  }
0xb5: {  	_ =	strace $0x9000004B  }
0xb6: {  	_ =	sfence  }
0xb7: {  	s30 =	sld [smem:$0x0];
	_ =	sdelay $0x2  }
0xb8: {  	s31 =	sshll.u32 s1, $0xD;
	s1 =	sshrl.u32 s1, $0x2  }
0xb9: {  	s3 =	sand.u32 $0x4000, s31;
	s1 =	sadd.s32 s1, s30  }
0xba: {  	s0 =	sor.u32 s3, s0;
	s1 =	sshll.u32 s1, $0x11  }
0xbb: {  	s0 =	sor.u32 s1, s0  }
0xbc: {  	s0 =	sadd.s32 $0x8F2B, s0  }
0xbd: {  	[sflag:s0] =	ssyncadd.remote.s32 $0x1  }
0xbe: {  	_ =	sfence.sel $0xFFFF  }
0xbf: {  	[dreg:$0x0] =	wrdreg $0xFFFFFFFF;
	(pc) =	sbr.abs _section_cstart, $3  }
0xc0: {  	[dreg:$0x1] =	wrdreg $0xFFFFFFFF  }
0xc1: {  	_ =	task.clear_ibuf [dreg:s6], $0x2FFFF;
	_ =	strace $0x9FFFFFFF  }
0xc2: {  	(tm) =	ssettm $0x7FFFFFFF  }
0xc3: {  	_ =	shalt  }
tec
execute0_lowered:
.L_overlay_start_1:
0x0: {  	(tag) =	ssettag $0x1  }
0x1: {  	s0 =	srdreg.scid;
	s1 =	rddreg [dreg:$0x0]  }
0x2: {  	s9 =	stileid.u32;
	s2 =	rddreg [dreg:$0x1]  }
0x3: {  	s3 =	simm.s32 $0x0;
	s12 =	simm.s32 $0x7;
	s13 =	simm.s32 $0x80  }
0x4: {  	s14 =	simm.s32 $0xA000;
	s15 =	simm.s32 $0xE000;
	s5 =	smul.u32 $0x5000, s9  }
0x5: {  	s17 =	simm.s32 $0x12000;
	s18 =	simm.s32 $0x2;
	s7 =	smul.u32 $0x140, s9  }
0x6: {  	s20 =	simm.s32 $0x5;
	s0 =	sand.u32 $0x1, s0;
	s23 =	smul.u32 $0x28000, s9  }
0x7: {  	s21 =	simm.s32 $0x3;
	s28 =	simm.s32 $0x0;
	s4 =	smul.u32 $0x50000, s0  }
0x8: {  	[smem:$0x7FF] =	sst s3;
	s6 =	smul.u32 $0x1400, s0;
	s0 =	ssub.s32 $0x2, s0  }
0x9: {  	s26 =	sshll.u32 s9, $0x6;
	_ =	strace $0x8000004A;
	s24 =	sshrl.u32 s0, $0x1  }
0xa: {  	s25 =	sshrl.u32 s23, $0x2;
	s23 =	simm.s32 $0x6;
	s5 =	sadd.s32 s5, s4  }
0xb: {  	s4 =	sadd.s32 $0x2A200, s1;
	s6 =	sadd.s32 s7, s6;
	s0 =	ssub.s32 s0, s24  }
0xc: {  	s11 =	sadd.s32 s25, s2;
	s5 =	sshrl.u32 s5, $0x3;
	s6 =	sshll.u32 s6, $0x4  }
0xd: {  	s24 =	simm.s32 $0x1;
	s8 =	sadd.s32 s5, s1;
	s29 =	sadd.s32 s4, s6  }
0xe: {  	s10 =	smax.u32 s0, $0x1;
	[dreg:$0x3] =	wrdreg s29;
	s30 =	sadd.s32 $0x16200, s8  }
0xf: {  	s1 =	sadd.s32 s6, s1;
	s31 =	sadd.s32 $0x2200, s8;
	[dreg:$0x4] =	wrdreg s30  }
0x10: {  	s11 =	sshrl.u32 s11, $0x3;
	s1 =	sadd.s32 $0x52200, s1;
	[dreg:$0x5] =	wrdreg s31  }
0x11: {  	s6 =	sor.u32 $0x1C07, s26;
	s26 =	simm.s32 $0x4;
	[dreg:$0x6] =	wrdreg s1  }
.LBB2_1:
0x12: {  	s0 =	rddreg [dreg:$0x3]  }
0x13: {  	[spmem:s11], [sflag:s6] =	dma.local [hbm:s0], $0x1400  }
0x14: {  	_ =	swait.ge [sflag:s12], $0x1400  }
0x15: {  	[sflag:s12] =	ssyncset.done $0x0  }
0x16: {  	[sflag:s12] =	ssyncadd.s32 $0xFFFFEC00  }
0x17: {  	[bflag:$0x0] =	sbarrier.arrive $0xFFFF  }
0x18: {  	s19 =	rddreg [dreg:$0x4]  }
0x19: {  	[tilespmem:s3], [sflag:$0x7] =	stream.linear.gather [hbm4b:s19+s3], $0x5000, $0x38;
	v63 =	vld [tilespmem:$0x0]  }
0x1a: {  	_ =	swait.ge [sflag:s12], $0x5000  }
0x1b: {  	s1 =	simm.s32 $0x5000;
	[sflag:s12] =	ssyncset.done $0x0  }
0x1c: {  	s25 =	smul.u32 $0xAB, s3;
	s22 =	rddreg [dreg:$0x5];
	[sflag:s12] =	ssyncadd.s32 $0xFFFFB000  }
0x1d: {  	[tilespmem:s1], [sflag:$0x7] =	stream.linear.gather [hbm4b:s22+s3], $0x5000, $0x38;
	v63 =	vld [tilespmem:$0x0]  }
0x1e: {  	_ =	swait.ge [sflag:s12], $0x5000  }
0x1f: {  	s5 =	simm.s32 $0x100;
	s0 =	sshrl.u32 s25, $0x9;
	[sflag:s12] =	ssyncset.done $0x0  }
0x20: {  	s0 =	sand.u32 $0x7F, s0;
	[sflag:s12] =	ssyncadd.s32 $0xFFFFB000;
	(ifvalue) =	ssetifvalue $0xFFFFFFFF  }
0x21: {  	s16 =	simm.s32 $0x1;
	s0 =	smul.u32 $0x3, s0;
	(ifvalue) =	ssetifvalue $0xFFFFFFFF  }
0x22: {  	[tilespmem:s14], [sflag:$0x1] =	stream.indirect.gather [hbm4b:s4+s13], $0x80, s3, s13, $0x40b8;
	v63 =	vld [tilespmem:$0x0]  }
0x23: {  	s31 =	simm.s32 $0x5080;
	s0 =	ssub.s32 $0x0, s0;
	(ifvalue) =	ssetifvalue $0xFFFFFFFF  }
0x24: {  	s16 =	smul.u32 $0xAB, s16;
	s0 =	sand.u32 $0xFF, s0;
	(ifvalue) =	ssetifvalue $0xFFFFFFFF  }
0x25: {  	[tilespmem:s15], [sflag:$0x2] =	stream.indirect.gather [hbm4b:s4+s13], $0x80, s13, s13, $0x40b8;
	v63 =	vld [tilespmem:$0x0]  }
0x26: {  	s29 =	simm.s32 $0x200;
	s30 =	sadd.s32 $0x1, s0;
	(ifvalue) =	ssetifvalue $0xFFFFFFFF  }
0x27: {  	s19 =	sshll.u32 s0, $0xE;
	s22 =	sshrl.u32 s16, $0x9;
	(ifvalue) =	ssetifvalue $0xFFFFFFFF  }
0x28: {  	[tilespmem:s17], [sflag:$0x3] =	stream.indirect.gather [hbm4b:s4+s13], $0x80, s5, s13, $0x40b8;
	v63 =	vld [tilespmem:$0x0]  }
0x29: {  	s16 =	sor.u32 $0x4, s0;
	s0 =	sadd.s32 $0xA000, s19;
	_ =	swait.ge [sflag:s30], $0x4000  }
0x2a: {  	s19 =	simm.s32 $0x2;
	s22 =	sand.u32 $0x7F, s22;
	[sflag:s30] =	ssyncset.done $0x0  }
0x2b: {  	s22 =	smul.u32 $0x3, s22;
	[sflag:s30] =	ssyncadd.s32 $0xFFFFC000;
	(ifvalue) =	ssetifvalue $0xFFFFFFFF  }
0x2c: {  	[spmem:s2] =	stream.indirect.scatter.add.f32 [tilespmem:s0], [sflag:s16], $0x80, s1, s13, $0x40b8;
	v63 =	vld [tilespmem:$0x0]  }
0x2d: {  	s22 =	ssub.s32 $0x1, s22;
	s1 =	simm.s32 $0x180;
	_ =	swait.ge [sflag:s16], $0x4000  }
.LBB2_2:
0x2e: {  	s22 =	sand.u32 $0xFF, s22;
	[sflag:s16] =	ssyncset.done $0x0  }
0x2f: {  	s25 =	smov.u32 s19;
	s5 =	sadd.s32 $0x1, s19;
	s7 =	smov.u32 s31  }
0x30: {  	s8 =	sshll.u32 s22, $0xE;
	s9 =	sadd.s32 $0x1, s22;
	[sflag:s16] =	ssyncadd.s32 $0xFFFFC000  }
0x31: {  	p0 =	sne.s32 s19, $0x9C;
	(ifvalue) =	ssetifvalue $0xFFFFFFFF  }
0x32: {  	(ifvalue) =	ssetifvalue $0xFFFFFFFF  }
0x33: {  	[tilespmem:s0], [sflag:s30] =	stream.indirect.gather [hbm4b:s4+s13], $0x80, s1, s13, $0x40b8;
	v63 =	vld [tilespmem:$0x0]  }
0x34: {  	s0 =	smul.u32 $0xAB, s25;
	s30 =	smov.u32 s9;
	s1 =	smov.u32 s29  }
0x35: {  	s31 =	sadd.s32 $0x80, s31;
	s16 =	sor.u32 $0x4, s22;
	_ =	swait.ge [sflag:s30], $0x4000  }
.Ltmp0:
0x36: {  	s0 =	sshrl.u32 s0, $0x9;
	[sflag:s30] =	ssyncset.done $0x0;
	(pc) =	sbr.rel @p0 .LBB2_2-.Ltmp0, $4  }
0x37: {  	s9 =	sand.u32 $0x7F, s0;
	s0 =	sadd.s32 $0xA000, s8;
	[sflag:s30] =	ssyncadd.s32 $0xFFFFC000  }
0x38: {  	s19 =	smov.u32 s5;
	s8 =	smul.u32 $0x3, s9;
	(ifvalue) =	ssetifvalue $0xFFFFFFFF  }
0x39: {  	[spmem:s2] =	stream.indirect.scatter.add.f32 [tilespmem:s0], [sflag:s16], $0x80, s7, s13, $0x40b8;
	v63 =	vld [tilespmem:$0x0]  }
0x3a: {  	s29 =	sadd.s32 $0x80, s29;
	s22 =	ssub.s32 s25, s8;
	_ =	swait.ge [sflag:s16], $0x4000  }
0x3b: {  	[sflag:s16] =	ssyncset.done $0x0  }
0x3c: {  	s19 =	sand.u32 $0xFF, s22;
	[sflag:s16] =	ssyncadd.s32 $0xFFFFC000;
	(ifvalue) =	ssetifvalue $0xFFFFFFFF  }
0x3d: {  	s22 =	sadd.s32 $0x1, s19;
	(ifvalue) =	ssetifvalue $0xFFFFFFFF  }
0x3e: {  	[tilespmem:s0], [sflag:s30] =	stream.indirect.gather [hbm4b:s4+s13], $0x80, s1, s13, $0x40b8;
	v63 =	vld [tilespmem:$0x0]  }
0x3f: {  	_ =	swait.ge [sflag:s22], $0x4000  }
0x40: {  	s5 =	sshll.u32 s19, $0xE;
	s0 =	sor.u32 $0x4, s19;
	[sflag:s22] =	ssyncset.done $0x0  }
0x41: {  	s5 =	sadd.s32 $0xA000, s5;
	[sflag:s22] =	ssyncadd.s32 $0xFFFFC000;
	(ifvalue) =	ssetifvalue $0xFFFFFFFF  }
0x42: {  	[spmem:s2] =	stream.indirect.scatter.add.f32 [tilespmem:s5], [sflag:s0], $0x80, s31, s13, $0x40b8;
	v63 =	vld [tilespmem:$0x0]  }
0x43: {  	_ =	swait.ge [sflag:s0], $0x4000  }
0x44: {  	[sflag:s0] =	ssyncset.done $0x0  }
0x45: {  	[sflag:s0] =	ssyncadd.s32 $0xFFFFC000;
	(ifvalue) =	ssetifvalue $0xFFFFFFFF  }
0x46: {  	(ifvalue) =	ssetifvalue $0xFFFFFFFF  }
0x47: {  	[tilespmem:s5], [sflag:s22] =	stream.indirect.gather [hbm4b:s4+s13], $0x80, s29, s13, $0x40b8;
	v63 =	vld [tilespmem:$0x0]  }
0x48: {  	_ =	swait.ge [sflag:s18], $0x4000  }
0x49: {  	[sflag:s18] =	ssyncset.done $0x0  }
0x4a: {  	s25 =	simm.s32 $0x9E80;
	[sflag:s18] =	ssyncadd.s32 $0xFFFFC000;
	(ifvalue) =	ssetifvalue $0xFFFFFFFF  }
0x4b: {  	[spmem:s2] =	stream.indirect.scatter.add.f32 [tilespmem:s15], [sflag:$0x5], $0x80, s25, s13, $0x40b8;
	v63 =	vld [tilespmem:$0x0]  }
0x4c: {  	_ =	swait.ge [sflag:s20], $0x4000  }
0x4d: {  	[sflag:s20] =	ssyncset.done $0x0  }
0x4e: {  	[sflag:s20] =	ssyncadd.s32 $0xFFFFC000  }
0x4f: {  	_ =	swait.ge [sflag:s21], $0x4000  }
0x50: {  	[sflag:s21] =	ssyncset.done $0x0  }
0x51: {  	s29 =	simm.s32 $0x9F00;
	[sflag:s21] =	ssyncadd.s32 $0xFFFFC000;
	(ifvalue) =	ssetifvalue $0xFFFFFFFF  }
0x52: {  	[spmem:s2] =	stream.indirect.scatter.add.f32 [tilespmem:s17], [sflag:$0x6], $0x80, s29, s13, $0x40b8;
	v63 =	vld [tilespmem:$0x0]  }
0x53: {  	_ =	swait.ge [sflag:s23], $0x4000  }
0x54: {  	[sflag:s23] =	ssyncset.done $0x0  }
0x55: {  	[sflag:s23] =	ssyncadd.s32 $0xFFFFC000  }
0x56: {  	_ =	swait.ge [sflag:s24], $0x4000  }
0x57: {  	[sflag:s24] =	ssyncset.done $0x0  }
0x58: {  	s30 =	simm.s32 $0x9F80;
	[sflag:s24] =	ssyncadd.s32 $0xFFFFC000;
	(ifvalue) =	ssetifvalue $0xFFFFFFFF  }
0x59: {  	[spmem:s2] =	stream.indirect.scatter.add.f32 [tilespmem:s14], [sflag:$0x4], $0x80, s30, s13, $0x40b8;
	v63 =	vld [tilespmem:$0x0]  }
0x5a: {  	_ =	swait.ge [sflag:s26], $0x4000  }
0x5b: {  	[sflag:s26] =	ssyncset.done $0x0  }
0x5c: {  	s28 =	sadd.s32 $0x1, s28;
	[sflag:s26] =	ssyncadd.s32 $0xFFFFC000  }
0x5d: {  	p0 =	sne.s32 s28, s10;
	[bflag:$0x0] =	sbarrier.arrive $0xFFFF  }
.Ltmp1:
0x5e: {  	s31 =	rddreg [dreg:$0x6];
	(pc) =	sbr.rel @p0 .LBB2_1-.Ltmp1, $4  }
0x5f: {  	[hbm:s31], [sflag:s6] =	dma.local [spmem:s11], $0x1400  }
0x60: {  	_ =	swait.ge [sflag:s12], $0x1400  }
0x61: {  	[sflag:s12] =	ssyncset.done $0x0  }
0x62: {  	[sflag:s12] =	ssyncadd.s32 $0xFFFFEC00  }
0x63: {  	_ =	sfence.sel $0x180000  }
0x64: {  	[bflag:$0x0] =	sbarrier.arrive $0xFFFF  }
0x65: {  	_ =	strace $0x9000004A  }
0x66: {  	s0 =	stileid.u32;
	[bflag:$0x2] =	sbarrier.arrive $0xFFFF  }
0x67: {  	p0 =	sne.s32 s0, $0x0;
	s0 =	rddreg [dreg:$0x2]  }
0x68: {  	s0 =	sadd.s32 @!p0 $0x100000, s0  }
0x69: {  	[sflag:s0] =	ssyncadd.tile.s32 @!p0 $0x1;
	_ =	shalt  }
.Lfunc_end2:
_tile_overlayer_lowered:
.L_overlay_start_2:
0x6a: {  	(tag) =	ssettag $0x2  }
0x6b: {  	s0 =	rddreg [dreg:$0x0];
	s2 =	stileid.u32  }
0x6c: {  	s1 =	rddreg [dreg:$0x1];
	p0 =	sne.s32 s2, $0x0  }
0x6d: {  	s3 =	rddreg [dreg:$0x2];
	[bflag:$0x3] =	sbarrier.arrive $0xFFFF;
	s2 =	simm.s32 @!p0 $0x1C07  }
0x6e: {  	[timem:s3], [sflag:s2] =	dma.local @!p0 [hbm:s0], s1  }
0x6f: {  	s0 =	simm.s32 @!p0 $0x7  }
0x70: {  	_ =	swait.ge @!p0 [sflag:s0], s1  }
0x71: {  	s1 =	ssub.s32 @!p0 $0x0, s1;
	[sflag:s0] =	ssyncset.done @!p0 $0x0  }
0x72: {  	[sflag:s0] =	ssyncadd.s32 @!p0 s1  }
0x73: {  	[bflag:$0x3] =	sbarrier.arrive $0xFFFF  }
0x74: {  	_ =	shalt  }

// kernel: kernel.14.cloned.1.call-start
scs
__scs_entry_jumppad:
0x0: {  	(pc) =	sbr.rel $0x88, $3  }
0x1: {  	(tag) =	ssettag $0x0;
	lr =	simm.s32 $0x1  }
0x2: {  	[smem:$0x3F9B] =	sst lr;
	_ =	strace $0xD0000000  }
0x3: {  	_ = 	snop  }
0x4: {  	_ = 	snop  }
0x5: {  	_ = 	snop  }
0x6: {  	_ = 	snop  }
0x7: {  	_ = 	snop  }
__scs_overlays_trampoline_lowered:
0x8: {  	[smem:$0x3FAA] =	sst s0  }
0x9: {  	[smem:$0x3FAB] =	sst s1  }
0xa: {  	[smem:$0x3FAC] =	sst s2  }
0xb: {  	[smem:$0x3FAD] =	sst s3  }
0xc: {  	[smem:$0x3FAE] =	sst s4  }
0xd: {  	[smem:$0x3FAF] =	sst s5  }
0xe: {  	[smem:$0x3FB0] =	sst s6  }
0xf: {  	[smem:$0x3FB1] =	sst s7  }
0x10: {  	[smem:$0x3FB2] =	sst s8  }
0x11: {  	[smem:$0x3FB3] =	sst s9;
	s0 =	simm.s32 @!p0 $0x0  }
0x12: {  	s1 =	sld [smem:$0x3F99];
	s0 =	simm.s32 @p0 $0x1  }
0x13: {  	[smem:$0x3FB4] =	sst s0;
	s0 =	simm.s32 @!p1 $0x0  }
0x14: {  	s2 =	sld [smem:$0x3F98];
	s0 =	simm.s32 @p1 $0x1  }
0x15: {  	[smem:$0x3FB5] =	sst s0;
	s0 =	simm.s32 @!p2 $0x0  }
0x16: {  	s3 =	sld [smem:$0x3FDB];
	s0 =	simm.s32 @p2 $0x1  }
0x17: {  	s4 =	simm.s32 $0x1BF5;
	[smem:$0x3FB7] =	sst s0  }
0x18: {  	s0 =	sld [smem:$0x3F9A];
	_ =	swait.ge [sflag:s4], $0x0  }
0x19: {  	s7 =	sld [smem:$0x3F9B]  }
0x1a: {  	s8 =	sadd.s32 $0xFFFFE003, lr  }
0x1b: {  	s9 =	sadd.s32 $0xFFFFFEF7, lr;
	s5 =	simm.s32 $0xFFFFFFFF;
	p2 =	slt.u32 s8, $0xFFFFF086  }
0x1c: {  	p1 =	slt.u32 s9, $0xF7A;
	s5 =	simm.s32 @!p2 $0x0  }
0x1d: {  	s5 =	simm.s32 @p1 $0x1;
	p0 =	seq.s32 s7, s2  }
0x1e: {  	s7 =	smul.u32 @!p0 $0xF7A, s2;
	p2 =	seq.s32 @!p0 s5, $0x0  }
0x1f: {  	s9 =	smul.u32 $0xF7A, s1;
	s8 =	simm.s32 @!p0 $0x1BF5;
	p2 =	por !p2, p0  }
0x20: {  	[sflag:s8] =	ssyncset.s32 @!p0 $0xFFFFF086;
	s6 =	sadd.s32 @!p0 s3, s7;
	s7 =	simm.s32 @!p0 $0x108  }
0x21: {  	s3 =	sadd.s32 s3, s9;
	s6 =	sadd.s32 @!p0 $0x88, s6;
	s7 =	simm.s32 @p2 $0x1082  }
0x22: {  	[simem:s7], [sflag:s8] =	dma.local @!p0 [hbm:s6], $0xF7A  }
0x23: {  	s9 =	sor.u32 $0xD0000000, s2;
	s6 =	simm.s32 $0x108;
	_ =	swait.ge @!p0 [sflag:s8], $0x0  }
0x24: {  	s3 =	sadd.s32 $0x88, s3;
	s6 =	simm.s32 @!p1 $0x1082;
	[sflag:s4] =	ssyncset.s32 $0xFFFFF086  }
0x25: {  	[simem:s6], [sflag:s4] =	dma.local [hbm:s3], $0xF7A  }
0x26: {  	[smem:$0x3F9B] =	sst s1;
	(tag) =	ssettag s2;
	_ =	strace s9  }
0x27: {  	s1 =	sld [smem:$0x3FAB]  }
0x28: {  	s2 =	sld [smem:$0x3FAC]  }
0x29: {  	s4 =	sld [smem:$0x3FAE]  }
0x2a: {  	p0 =	seq.s32 s5, $0x0;
	s5 =	sld [smem:$0x3FAF]  }
0x2b: {  	s6 =	sld [smem:$0x3FB0]  }
0x2c: {  	s7 =	sld [smem:$0x3FB1]  }
0x2d: {  	s3 =	simm.s32 $0x108;
	s8 =	sld [smem:$0x3FB2]  }
0x2e: {  	s3 =	simm.s32 @!p0 $0x1082;
	s9 =	sld [smem:$0x3FB3]  }
0x2f: {  	lr =	sadd.s32 s0, s3;
	s0 =	sld [smem:$0x3FAA]  }
0x30: {  	s3 =	sld [smem:$0x3FAD]  }
0x31: {  	[smem:$0x3FB6] =	sst s10  }
0x32: {  	s10 =	sld [smem:$0x3FB4];
	_ =	sdelay $0x3  }
0x33: {  	p0 =	seq.s32 s10, $0x1;
	s10 =	sld [smem:$0x3FB6];
	_ =	sdelay $0x3  }
0x34: {  	[smem:$0x3FB6] =	sst s10  }
0x35: {  	s10 =	sld [smem:$0x3FB5];
	_ =	sdelay $0x3  }
0x36: {  	p1 =	seq.s32 s10, $0x1;
	s10 =	sld [smem:$0x3FB6];
	_ =	sdelay $0x3  }
0x37: {  	[smem:$0x3FB6] =	sst s10  }
0x38: {  	s10 =	sld [smem:$0x3FB7]  }
0x39: {  	_ = 	snop;
	(pc) =	sbr.ind lr, $3  }
0x3a: {  	_ = 	snop  }
0x3b: {  	_ = 	snop  }
0x3c: {  	p2 =	seq.s32 s10, $0x1;
	s10 =	sld [smem:$0x3FB6]  }
0x3d: {  	_ =	shalt  }
0x3e: {  	_ =	shalt  }
0x3f: {  	_ =	shalt  }
0x40: {  	_ =	shalt  }
0x41: {  	_ =	shalt  }
0x42: {  	_ =	shalt  }
0x43: {  	_ =	shalt  }
0x44: {  	_ =	shalt  }
0x45: {  	_ =	shalt  }
0x46: {  	_ =	shalt  }
0x47: {  	_ =	shalt  }
0x48: {  	_ =	shalt  }
0x49: {  	_ =	shalt  }
0x4a: {  	_ =	shalt  }
0x4b: {  	_ =	shalt  }
0x4c: {  	_ =	shalt  }
0x4d: {  	_ =	shalt  }
0x4e: {  	_ =	shalt  }
0x4f: {  	_ =	shalt  }
0x50: {  	_ =	shalt  }
0x51: {  	_ =	shalt  }
0x52: {  	_ =	shalt  }
0x53: {  	_ =	shalt  }
0x54: {  	_ =	shalt  }
0x55: {  	_ =	shalt  }
0x56: {  	_ =	shalt  }
0x57: {  	_ =	shalt  }
0x58: {  	_ =	shalt  }
0x59: {  	_ =	shalt  }
0x5a: {  	_ =	shalt  }
0x5b: {  	_ =	shalt  }
0x5c: {  	_ =	shalt  }
0x5d: {  	_ =	shalt  }
0x5e: {  	_ =	shalt  }
0x5f: {  	_ =	shalt  }
0x60: {  	_ =	shalt  }
0x61: {  	_ =	shalt  }
0x62: {  	_ =	shalt  }
0x63: {  	_ =	shalt  }
0x64: {  	_ =	shalt  }
0x65: {  	_ =	shalt  }
0x66: {  	_ =	shalt  }
0x67: {  	_ =	shalt  }
0x68: {  	_ =	shalt  }
0x69: {  	_ =	shalt  }
0x6a: {  	_ =	shalt  }
0x6b: {  	_ =	shalt  }
0x6c: {  	_ =	shalt  }
0x6d: {  	_ =	shalt  }
0x6e: {  	_ =	shalt  }
0x6f: {  	_ =	shalt  }
0x70: {  	_ =	shalt  }
0x71: {  	_ =	shalt  }
0x72: {  	_ =	shalt  }
0x73: {  	_ =	shalt  }
0x74: {  	_ =	shalt  }
0x75: {  	_ =	shalt  }
0x76: {  	_ =	shalt  }
0x77: {  	_ =	shalt  }
0x78: {  	_ =	shalt  }
0x79: {  	_ =	shalt  }
0x7a: {  	_ =	shalt  }
0x7b: {  	_ =	shalt  }
0x7c: {  	_ =	shalt  }
0x7d: {  	_ =	shalt  }
0x7e: {  	_ =	shalt  }
0x7f: {  	_ =	shalt  }
0x80: {  	_ =	shalt  }
0x81: {  	_ =	shalt  }
0x82: {  	_ =	shalt  }
0x83: {  	_ =	shalt  }
0x84: {  	_ =	shalt  }
0x85: {  	_ =	shalt  }
0x86: {  	_ =	shalt  }
0x87: {  	_ =	shalt  }
.Lfunc_end0:
.L_simem_size_0:
called_computation.2_lowered:
.L_overlay_start_0:
0x88: {  	s2 =	sld [smem:$0x3FD9]  }
0x89: {  	s3 =	sld [smem:$0x3FFE];
	_ =	sdelay $0x1  }
0x8a: {  	s1 =	srdreg.scid  }
0x8b: {  	s0 =	sand.u32 $0x1, s1  }
0x8c: {  	s16 =	sshll.u32 s0, $0xA;
	s2 =	sadd.s32 s3, s2  }
0x8d: {  	s2 =	sadd.s32 s2, s16  }
0x8e: {  	[smem:$0x3FC2] =	sst s2  }
0x8f: {  	_ = 	snop  }
0x90: {  	(tm) =	ssettm $0x1  }
0x91: {  	s17 =	sld [smem:$0x3FFB];
	_ =	sdelay $0x3  }
0x92: {  	_ =	strace s17  }
0x93: {  	s2 =	sld [smem:$0x3FFC];
	_ =	sdelay $0x3  }
0x94: {  	_ =	strace s2  }
0x95: {  	s2 =	sld [smem:$0x3FFD];
	_ =	sdelay $0x3  }
0x96: {  	_ =	strace s2  }
0x97: {  	_ =	strace $0x8FFFFFFF  }
0x98: {  	s18 =	sld [smem:$0x3FDB];
	_ =	sdelay $0x1  }
0x99: {  	s19 =	simm.s32 $_scs_section_size  }
0x9a: {  	s4 =	simm.s32 $_size__tile_overlayer_lowered;
	s5 =	simm.s32 $_tile_overlayer_lowered  }
0x9b: {  	s22 =	simm.s32 $0x1BFF;
	s21 =	sshll.u32 s5, $0x1;
	s2 =	sadd.s32 s19, s18  }
0x9c: {  	s6 =	simm.s32 $0x0;
	s20 =	sshll.u32 s4, $0x1;
	s4 =	sadd.s32 s21, s2  }
0x9d: {  	[timem:s6], [sflag:s22] =	dma.local [hbm:s4], s20  }
0x9e: {  	_ =	swait.ge [sflag:s22], s20  }
0x9f: {  	s3 =	ssub.s32 $0x0, s20;
	[sflag:s22] =	ssyncset.done $0x0  }
0xa0: {  	[sflag:s22] =	ssyncadd.s32 s3;
	_ =	sdelay $0x1  }
0xa1: {  	s23 =	simm.s32 $0x1B8B  }
0xa2: {  	_ =	swait.ge [sflag:s23], $0x1  }
0xa3: {  	[sflag:s23] =	ssyncset.done $0x0  }
0xa4: {  	s25 =	simm.s32 $0x1B8E;
	s24 =	sld [smem:$0x3FFE];
	[sflag:s23] =	ssyncadd.s32 $0xFFFFFFFF  }
0xa5: {  	s26 =	simm.s32 $execute0_lowered;
	[smem:$0x3FD2] =	sst s25  }
0xa6: {  	s4 =	sshll.u32 s26, $0x1;
	_ =	strace $0x8000004C;
	[dreg:$0x1] =	wrdreg $0xFFFFFFFF  }
0xa7: {  	s28 =	simm.s32 $_size_execute0_lowered;
	s2 =	sadd.s32 s2, s4;
	[dreg:$0x0] =	wrdreg $0x0  }
0xa8: {  	s4 =	sshll.u32 s28, $0x1;
	[dreg:$0x2] =	wrdreg s2  }
0xa9: {  	[dreg:$0x3] =	wrdreg s4  }
0xaa: {  	[dreg:$0x4] =	wrdreg $0xC0  }
0xab: {  	_ =	task [dreg:s6], $0x5FFFF  }
0xac: {  	[dreg:$0x1] =	wrdreg $0xFFFFFFFF  }
0xad: {  	[dreg:$0x0] =	wrdreg $0x60  }
0xae: {  	[dreg:$0x2] =	wrdreg s24  }
0xaf: {  	[dreg:$0x3] =	wrdreg $0x160000  }
0xb0: {  	[dreg:$0x4] =	wrdreg $0x9  }
0xb1: {  	_ =	task.clear_ibuf [dreg:s6], $0x5FFFF;
	_ =	strace $0x9000004C  }
0xb2: {  	s29 =	simm.s32 $0x9;
	_ =	strace $0x8000004E  }
0xb3: {  	_ =	swait.ge [sflag:s29], $0x1  }
0xb4: {  	[sflag:s29] =	ssyncadd.s32 $0xFFFFFFFF  }
0xb5: {  	_ =	strace $0x9000004E  }
0xb6: {  	_ =	sfence  }
0xb7: {  	s30 =	sld [smem:$0x0];
	_ =	sdelay $0x2  }
0xb8: {  	s31 =	sshll.u32 s1, $0xD;
	s1 =	sshrl.u32 s1, $0x2  }
0xb9: {  	s3 =	sand.u32 $0x4000, s31;
	s1 =	sadd.s32 s1, s30  }
0xba: {  	s0 =	sor.u32 s3, s0;
	s1 =	sshll.u32 s1, $0x11  }
0xbb: {  	s0 =	sor.u32 s1, s0  }
0xbc: {  	s0 =	sadd.s32 $0x8F2B, s0  }
0xbd: {  	[sflag:s0] =	ssyncadd.remote.s32 $0x1  }
0xbe: {  	_ =	sfence.sel $0xFFFF  }
0xbf: {  	[dreg:$0x0] =	wrdreg $0xFFFFFFFF;
	(pc) =	sbr.abs _section_cstart, $3  }
0xc0: {  	[dreg:$0x1] =	wrdreg $0xFFFFFFFF  }
0xc1: {  	_ =	task.clear_ibuf [dreg:s6], $0x2FFFF;
	_ =	strace $0x9FFFFFFF  }
0xc2: {  	(tm) =	ssettm $0x7FFFFFFF  }
0xc3: {  	_ =	shalt  }
tec
execute0_lowered:
.L_overlay_start_1:
0x0: {  	(tag) =	ssettag $0x1  }
0x1: {  	s0 =	srdreg.scid;
	s1 =	rddreg [dreg:$0x0]  }
0x2: {  	s9 =	stileid.u32;
	s2 =	rddreg [dreg:$0x1]  }
0x3: {  	s3 =	simm.s32 $0x0;
	s12 =	simm.s32 $0x7;
	s13 =	simm.s32 $0x80  }
0x4: {  	s14 =	simm.s32 $0xA000;
	s15 =	simm.s32 $0xE000;
	s5 =	smul.u32 $0x5000, s9  }
0x5: {  	s17 =	simm.s32 $0x12000;
	s18 =	simm.s32 $0x2;
	s7 =	smul.u32 $0x140, s9  }
0x6: {  	s20 =	simm.s32 $0x5;
	s0 =	sand.u32 $0x1, s0;
	s23 =	smul.u32 $0x28000, s9  }
0x7: {  	s21 =	simm.s32 $0x3;
	s28 =	simm.s32 $0x0;
	s4 =	smul.u32 $0x50000, s0  }
0x8: {  	[smem:$0x7FF] =	sst s3;
	s6 =	smul.u32 $0x1400, s0;
	s0 =	ssub.s32 $0x2, s0  }
0x9: {  	s26 =	sshll.u32 s9, $0x6;
	_ =	strace $0x8000004D;
	s24 =	sshrl.u32 s0, $0x1  }
0xa: {  	s25 =	sshrl.u32 s23, $0x2;
	s23 =	simm.s32 $0x6;
	s5 =	sadd.s32 s5, s4  }
0xb: {  	s4 =	sadd.s32 $0x2A200, s1;
	s6 =	sadd.s32 s7, s6;
	s0 =	ssub.s32 s0, s24  }
0xc: {  	s11 =	sadd.s32 s25, s2;
	s5 =	sshrl.u32 s5, $0x3;
	s6 =	sshll.u32 s6, $0x4  }
0xd: {  	s24 =	simm.s32 $0x1;
	s8 =	sadd.s32 s5, s1;
	s29 =	sadd.s32 s4, s6  }
0xe: {  	s10 =	smax.u32 s0, $0x1;
	[dreg:$0x3] =	wrdreg s29;
	s30 =	sadd.s32 $0x16200, s8  }
0xf: {  	s1 =	sadd.s32 s6, s1;
	s31 =	sadd.s32 $0x2200, s8;
	[dreg:$0x4] =	wrdreg s30  }
0x10: {  	s11 =	sshrl.u32 s11, $0x3;
	s1 =	sadd.s32 $0x52200, s1;
	[dreg:$0x5] =	wrdreg s31  }
0x11: {  	s6 =	sor.u32 $0x1C07, s26;
	s26 =	simm.s32 $0x4;
	[dreg:$0x6] =	wrdreg s1  }
.LBB2_1:
0x12: {  	s0 =	rddreg [dreg:$0x3]  }
0x13: {  	[spmem:s11], [sflag:s6] =	dma.local [hbm:s0], $0x1400  }
0x14: {  	_ =	swait.ge [sflag:s12], $0x1400  }
0x15: {  	[sflag:s12] =	ssyncset.done $0x0  }
0x16: {  	[sflag:s12] =	ssyncadd.s32 $0xFFFFEC00  }
0x17: {  	[bflag:$0x0] =	sbarrier.arrive $0xFFFF  }
0x18: {  	s19 =	rddreg [dreg:$0x4]  }
0x19: {  	[tilespmem:s3], [sflag:$0x7] =	stream.linear.gather [hbm4b:s19+s3], $0x5000, $0x38;
	v63 =	vld [tilespmem:$0x0]  }
0x1a: {  	_ =	swait.ge [sflag:s12], $0x5000  }
0x1b: {  	s1 =	simm.s32 $0x5000;
	[sflag:s12] =	ssyncset.done $0x0  }
0x1c: {  	s25 =	smul.u32 $0xAB, s3;
	s22 =	rddreg [dreg:$0x5];
	[sflag:s12] =	ssyncadd.s32 $0xFFFFB000  }
0x1d: {  	[tilespmem:s1], [sflag:$0x7] =	stream.linear.gather [hbm4b:s22+s3], $0x5000, $0x38;
	v63 =	vld [tilespmem:$0x0]  }
0x1e: {  	_ =	swait.ge [sflag:s12], $0x5000  }
0x1f: {  	s5 =	simm.s32 $0x100;
	s0 =	sshrl.u32 s25, $0x9;
	[sflag:s12] =	ssyncset.done $0x0  }
0x20: {  	s0 =	sand.u32 $0x7F, s0;
	[sflag:s12] =	ssyncadd.s32 $0xFFFFB000;
	(ifvalue) =	ssetifvalue $0xFFFFFFFF  }
0x21: {  	s16 =	simm.s32 $0x1;
	s0 =	smul.u32 $0x3, s0;
	(ifvalue) =	ssetifvalue $0xFFFFFFFF  }
0x22: {  	[tilespmem:s14], [sflag:$0x1] =	stream.indirect.gather [hbm4b:s4+s13], $0x80, s3, s13, $0x40b8;
	v63 =	vld [tilespmem:$0x0]  }
0x23: {  	s31 =	simm.s32 $0x5080;
	s0 =	ssub.s32 $0x0, s0;
	(ifvalue) =	ssetifvalue $0xFFFFFFFF  }
0x24: {  	s16 =	smul.u32 $0xAB, s16;
	s0 =	sand.u32 $0xFF, s0;
	(ifvalue) =	ssetifvalue $0xFFFFFFFF  }
0x25: {  	[tilespmem:s15], [sflag:$0x2] =	stream.indirect.gather [hbm4b:s4+s13], $0x80, s13, s13, $0x40b8;
	v63 =	vld [tilespmem:$0x0]  }
0x26: {  	s29 =	simm.s32 $0x200;
	s30 =	sadd.s32 $0x1, s0;
	(ifvalue) =	ssetifvalue $0xFFFFFFFF  }
0x27: {  	s19 =	sshll.u32 s0, $0xE;
	s22 =	sshrl.u32 s16, $0x9;
	(ifvalue) =	ssetifvalue $0xFFFFFFFF  }
0x28: {  	[tilespmem:s17], [sflag:$0x3] =	stream.indirect.gather [hbm4b:s4+s13], $0x80, s5, s13, $0x40b8;
	v63 =	vld [tilespmem:$0x0]  }
0x29: {  	s16 =	sor.u32 $0x4, s0;
	s0 =	sadd.s32 $0xA000, s19;
	_ =	swait.ge [sflag:s30], $0x4000  }
0x2a: {  	s19 =	simm.s32 $0x2;
	s22 =	sand.u32 $0x7F, s22;
	[sflag:s30] =	ssyncset.done $0x0  }
0x2b: {  	s22 =	smul.u32 $0x3, s22;
	[sflag:s30] =	ssyncadd.s32 $0xFFFFC000;
	(ifvalue) =	ssetifvalue $0xFFFFFFFF  }
0x2c: {  	[spmem:s2] =	stream.indirect.scatter.add.f32 [tilespmem:s0], [sflag:s16], $0x80, s1, s13, $0x40b8;
	v63 =	vld [tilespmem:$0x0]  }
0x2d: {  	s22 =	ssub.s32 $0x1, s22;
	s1 =	simm.s32 $0x180;
	_ =	swait.ge [sflag:s16], $0x4000  }
.LBB2_2:
0x2e: {  	s22 =	sand.u32 $0xFF, s22;
	[sflag:s16] =	ssyncset.done $0x0  }
0x2f: {  	s25 =	smov.u32 s19;
	s5 =	sadd.s32 $0x1, s19;
	s7 =	smov.u32 s31  }
0x30: {  	s8 =	sshll.u32 s22, $0xE;
	s9 =	sadd.s32 $0x1, s22;
	[sflag:s16] =	ssyncadd.s32 $0xFFFFC000  }
0x31: {  	p0 =	sne.s32 s19, $0x9C;
	(ifvalue) =	ssetifvalue $0xFFFFFFFF  }
0x32: {  	(ifvalue) =	ssetifvalue $0xFFFFFFFF  }
0x33: {  	[tilespmem:s0], [sflag:s30] =	stream.indirect.gather [hbm4b:s4+s13], $0x80, s1, s13, $0x40b8;
	v63 =	vld [tilespmem:$0x0]  }
0x34: {  	s0 =	smul.u32 $0xAB, s25;
	s30 =	smov.u32 s9;
	s1 =	smov.u32 s29  }
0x35: {  	s31 =	sadd.s32 $0x80, s31;
	s16 =	sor.u32 $0x4, s22;
	_ =	swait.ge [sflag:s30], $0x4000  }
.Ltmp0:
0x36: {  	s0 =	sshrl.u32 s0, $0x9;
	[sflag:s30] =	ssyncset.done $0x0;
	(pc) =	sbr.rel @p0 .LBB2_2-.Ltmp0, $4  }
0x37: {  	s9 =	sand.u32 $0x7F, s0;
	s0 =	sadd.s32 $0xA000, s8;
	[sflag:s30] =	ssyncadd.s32 $0xFFFFC000  }
0x38: {  	s19 =	smov.u32 s5;
	s8 =	smul.u32 $0x3, s9;
	(ifvalue) =	ssetifvalue $0xFFFFFFFF  }
0x39: {  	[spmem:s2] =	stream.indirect.scatter.add.f32 [tilespmem:s0], [sflag:s16], $0x80, s7, s13, $0x40b8;
	v63 =	vld [tilespmem:$0x0]  }
0x3a: {  	s29 =	sadd.s32 $0x80, s29;
	s22 =	ssub.s32 s25, s8;
	_ =	swait.ge [sflag:s16], $0x4000  }
0x3b: {  	[sflag:s16] =	ssyncset.done $0x0  }
0x3c: {  	s19 =	sand.u32 $0xFF, s22;
	[sflag:s16] =	ssyncadd.s32 $0xFFFFC000;
	(ifvalue) =	ssetifvalue $0xFFFFFFFF  }
0x3d: {  	s22 =	sadd.s32 $0x1, s19;
	(ifvalue) =	ssetifvalue $0xFFFFFFFF  }
0x3e: {  	[tilespmem:s0], [sflag:s30] =	stream.indirect.gather [hbm4b:s4+s13], $0x80, s1, s13, $0x40b8;
	v63 =	vld [tilespmem:$0x0]  }
0x3f: {  	_ =	swait.ge [sflag:s22], $0x4000  }
0x40: {  	s5 =	sshll.u32 s19, $0xE;
	s0 =	sor.u32 $0x4, s19;
	[sflag:s22] =	ssyncset.done $0x0  }
0x41: {  	s5 =	sadd.s32 $0xA000, s5;
	[sflag:s22] =	ssyncadd.s32 $0xFFFFC000;
	(ifvalue) =	ssetifvalue $0xFFFFFFFF  }
0x42: {  	[spmem:s2] =	stream.indirect.scatter.add.f32 [tilespmem:s5], [sflag:s0], $0x80, s31, s13, $0x40b8;
	v63 =	vld [tilespmem:$0x0]  }
0x43: {  	_ =	swait.ge [sflag:s0], $0x4000  }
0x44: {  	[sflag:s0] =	ssyncset.done $0x0  }
0x45: {  	[sflag:s0] =	ssyncadd.s32 $0xFFFFC000;
	(ifvalue) =	ssetifvalue $0xFFFFFFFF  }
0x46: {  	(ifvalue) =	ssetifvalue $0xFFFFFFFF  }
0x47: {  	[tilespmem:s5], [sflag:s22] =	stream.indirect.gather [hbm4b:s4+s13], $0x80, s29, s13, $0x40b8;
	v63 =	vld [tilespmem:$0x0]  }
0x48: {  	_ =	swait.ge [sflag:s18], $0x4000  }
0x49: {  	[sflag:s18] =	ssyncset.done $0x0  }
0x4a: {  	s25 =	simm.s32 $0x9E80;
	[sflag:s18] =	ssyncadd.s32 $0xFFFFC000;
	(ifvalue) =	ssetifvalue $0xFFFFFFFF  }
0x4b: {  	[spmem:s2] =	stream.indirect.scatter.add.f32 [tilespmem:s15], [sflag:$0x5], $0x80, s25, s13, $0x40b8;
	v63 =	vld [tilespmem:$0x0]  }
0x4c: {  	_ =	swait.ge [sflag:s20], $0x4000  }
0x4d: {  	[sflag:s20] =	ssyncset.done $0x0  }
0x4e: {  	[sflag:s20] =	ssyncadd.s32 $0xFFFFC000  }
0x4f: {  	_ =	swait.ge [sflag:s21], $0x4000  }
0x50: {  	[sflag:s21] =	ssyncset.done $0x0  }
0x51: {  	s29 =	simm.s32 $0x9F00;
	[sflag:s21] =	ssyncadd.s32 $0xFFFFC000;
	(ifvalue) =	ssetifvalue $0xFFFFFFFF  }
0x52: {  	[spmem:s2] =	stream.indirect.scatter.add.f32 [tilespmem:s17], [sflag:$0x6], $0x80, s29, s13, $0x40b8;
	v63 =	vld [tilespmem:$0x0]  }
0x53: {  	_ =	swait.ge [sflag:s23], $0x4000  }
0x54: {  	[sflag:s23] =	ssyncset.done $0x0  }
0x55: {  	[sflag:s23] =	ssyncadd.s32 $0xFFFFC000  }
0x56: {  	_ =	swait.ge [sflag:s24], $0x4000  }
0x57: {  	[sflag:s24] =	ssyncset.done $0x0  }
0x58: {  	s30 =	simm.s32 $0x9F80;
	[sflag:s24] =	ssyncadd.s32 $0xFFFFC000;
	(ifvalue) =	ssetifvalue $0xFFFFFFFF  }
0x59: {  	[spmem:s2] =	stream.indirect.scatter.add.f32 [tilespmem:s14], [sflag:$0x4], $0x80, s30, s13, $0x40b8;
	v63 =	vld [tilespmem:$0x0]  }
0x5a: {  	_ =	swait.ge [sflag:s26], $0x4000  }
0x5b: {  	[sflag:s26] =	ssyncset.done $0x0  }
0x5c: {  	s28 =	sadd.s32 $0x1, s28;
	[sflag:s26] =	ssyncadd.s32 $0xFFFFC000  }
0x5d: {  	p0 =	sne.s32 s28, s10;
	[bflag:$0x0] =	sbarrier.arrive $0xFFFF  }
.Ltmp1:
0x5e: {  	s31 =	rddreg [dreg:$0x6];
	(pc) =	sbr.rel @p0 .LBB2_1-.Ltmp1, $4  }
0x5f: {  	[hbm:s31], [sflag:s6] =	dma.local [spmem:s11], $0x1400  }
0x60: {  	_ =	swait.ge [sflag:s12], $0x1400  }
0x61: {  	[sflag:s12] =	ssyncset.done $0x0  }
0x62: {  	[sflag:s12] =	ssyncadd.s32 $0xFFFFEC00  }
0x63: {  	_ =	sfence.sel $0x180000  }
0x64: {  	[bflag:$0x0] =	sbarrier.arrive $0xFFFF  }
0x65: {  	_ =	strace $0x9000004D  }
0x66: {  	s0 =	stileid.u32;
	[bflag:$0x2] =	sbarrier.arrive $0xFFFF  }
0x67: {  	p0 =	sne.s32 s0, $0x0;
	s0 =	rddreg [dreg:$0x2]  }
0x68: {  	s0 =	sadd.s32 @!p0 $0x100000, s0  }
0x69: {  	[sflag:s0] =	ssyncadd.tile.s32 @!p0 $0x1;
	_ =	shalt  }
.Lfunc_end2:
_tile_overlayer_lowered:
.L_overlay_start_2:
0x6a: {  	(tag) =	ssettag $0x2  }
0x6b: {  	s0 =	rddreg [dreg:$0x0];
	s2 =	stileid.u32  }
0x6c: {  	s1 =	rddreg [dreg:$0x1];
	p0 =	sne.s32 s2, $0x0  }
0x6d: {  	s3 =	rddreg [dreg:$0x2];
	[bflag:$0x3] =	sbarrier.arrive $0xFFFF;
	s2 =	simm.s32 @!p0 $0x1C07  }
0x6e: {  	[timem:s3], [sflag:s2] =	dma.local @!p0 [hbm:s0], s1  }
0x6f: {  	s0 =	simm.s32 @!p0 $0x7  }
0x70: {  	_ =	swait.ge @!p0 [sflag:s0], s1  }
0x71: {  	s1 =	ssub.s32 @!p0 $0x0, s1;
	[sflag:s0] =	ssyncset.done @!p0 $0x0  }
0x72: {  	[sflag:s0] =	ssyncadd.s32 @!p0 s1  }
0x73: {  	[bflag:$0x3] =	sbarrier.arrive $0xFFFF  }
0x74: {  	_ =	shalt  }

// kernel: kernel.8.cloned.1.call-start
scs
__scs_entry_jumppad:
0x0: {  	(pc) =	sbr.rel $0x88, $3  }
0x1: {  	(tag) =	ssettag $0x0;
	lr =	simm.s32 $0x1  }
0x2: {  	[smem:$0x3F9B] =	sst lr;
	_ =	strace $0xD0000000  }
0x3: {  	_ = 	snop  }
0x4: {  	_ = 	snop  }
0x5: {  	_ = 	snop  }
0x6: {  	_ = 	snop  }
0x7: {  	_ = 	snop  }
__scs_overlays_trampoline_lowered:
0x8: {  	[smem:$0x3FAA] =	sst s0  }
0x9: {  	[smem:$0x3FAB] =	sst s1  }
0xa: {  	[smem:$0x3FAC] =	sst s2  }
0xb: {  	[smem:$0x3FAD] =	sst s3  }
0xc: {  	[smem:$0x3FAE] =	sst s4  }
0xd: {  	[smem:$0x3FAF] =	sst s5  }
0xe: {  	[smem:$0x3FB0] =	sst s6  }
0xf: {  	[smem:$0x3FB1] =	sst s7  }
0x10: {  	[smem:$0x3FB2] =	sst s8  }
0x11: {  	[smem:$0x3FB3] =	sst s9;
	s0 =	simm.s32 @!p0 $0x0  }
0x12: {  	s1 =	sld [smem:$0x3F99];
	s0 =	simm.s32 @p0 $0x1  }
0x13: {  	[smem:$0x3FB4] =	sst s0;
	s0 =	simm.s32 @!p1 $0x0  }
0x14: {  	s2 =	sld [smem:$0x3F98];
	s0 =	simm.s32 @p1 $0x1  }
0x15: {  	[smem:$0x3FB5] =	sst s0;
	s0 =	simm.s32 @!p2 $0x0  }
0x16: {  	s3 =	sld [smem:$0x3FDB];
	s0 =	simm.s32 @p2 $0x1  }
0x17: {  	s4 =	simm.s32 $0x1BF5;
	[smem:$0x3FB7] =	sst s0  }
0x18: {  	s0 =	sld [smem:$0x3F9A];
	_ =	swait.ge [sflag:s4], $0x0  }
0x19: {  	s7 =	sld [smem:$0x3F9B]  }
0x1a: {  	s8 =	sadd.s32 $0xFFFFE003, lr  }
0x1b: {  	s9 =	sadd.s32 $0xFFFFFEF7, lr;
	s5 =	simm.s32 $0xFFFFFFFF;
	p2 =	slt.u32 s8, $0xFFFFF086  }
0x1c: {  	p1 =	slt.u32 s9, $0xF7A;
	s5 =	simm.s32 @!p2 $0x0  }
0x1d: {  	s5 =	simm.s32 @p1 $0x1;
	p0 =	seq.s32 s7, s2  }
0x1e: {  	s7 =	smul.u32 @!p0 $0xF7A, s2;
	p2 =	seq.s32 @!p0 s5, $0x0  }
0x1f: {  	s9 =	smul.u32 $0xF7A, s1;
	s8 =	simm.s32 @!p0 $0x1BF5;
	p2 =	por !p2, p0  }
0x20: {  	[sflag:s8] =	ssyncset.s32 @!p0 $0xFFFFF086;
	s6 =	sadd.s32 @!p0 s3, s7;
	s7 =	simm.s32 @!p0 $0x108  }
0x21: {  	s3 =	sadd.s32 s3, s9;
	s6 =	sadd.s32 @!p0 $0x88, s6;
	s7 =	simm.s32 @p2 $0x1082  }
0x22: {  	[simem:s7], [sflag:s8] =	dma.local @!p0 [hbm:s6], $0xF7A  }
0x23: {  	s9 =	sor.u32 $0xD0000000, s2;
	s6 =	simm.s32 $0x108;
	_ =	swait.ge @!p0 [sflag:s8], $0x0  }
0x24: {  	s3 =	sadd.s32 $0x88, s3;
	s6 =	simm.s32 @!p1 $0x1082;
	[sflag:s4] =	ssyncset.s32 $0xFFFFF086  }
0x25: {  	[simem:s6], [sflag:s4] =	dma.local [hbm:s3], $0xF7A  }
0x26: {  	[smem:$0x3F9B] =	sst s1;
	(tag) =	ssettag s2;
	_ =	strace s9  }
0x27: {  	s1 =	sld [smem:$0x3FAB]  }
0x28: {  	s2 =	sld [smem:$0x3FAC]  }
0x29: {  	s4 =	sld [smem:$0x3FAE]  }
0x2a: {  	p0 =	seq.s32 s5, $0x0;
	s5 =	sld [smem:$0x3FAF]  }
0x2b: {  	s6 =	sld [smem:$0x3FB0]  }
0x2c: {  	s7 =	sld [smem:$0x3FB1]  }
0x2d: {  	s3 =	simm.s32 $0x108;
	s8 =	sld [smem:$0x3FB2]  }
0x2e: {  	s3 =	simm.s32 @!p0 $0x1082;
	s9 =	sld [smem:$0x3FB3]  }
0x2f: {  	lr =	sadd.s32 s0, s3;
	s0 =	sld [smem:$0x3FAA]  }
0x30: {  	s3 =	sld [smem:$0x3FAD]  }
0x31: {  	[smem:$0x3FB6] =	sst s10  }
0x32: {  	s10 =	sld [smem:$0x3FB4];
	_ =	sdelay $0x3  }
0x33: {  	p0 =	seq.s32 s10, $0x1;
	s10 =	sld [smem:$0x3FB6];
	_ =	sdelay $0x3  }
0x34: {  	[smem:$0x3FB6] =	sst s10  }
0x35: {  	s10 =	sld [smem:$0x3FB5];
	_ =	sdelay $0x3  }
0x36: {  	p1 =	seq.s32 s10, $0x1;
	s10 =	sld [smem:$0x3FB6];
	_ =	sdelay $0x3  }
0x37: {  	[smem:$0x3FB6] =	sst s10  }
0x38: {  	s10 =	sld [smem:$0x3FB7]  }
0x39: {  	_ = 	snop;
	(pc) =	sbr.ind lr, $3  }
0x3a: {  	_ = 	snop  }
0x3b: {  	_ = 	snop  }
0x3c: {  	p2 =	seq.s32 s10, $0x1;
	s10 =	sld [smem:$0x3FB6]  }
0x3d: {  	_ =	shalt  }
0x3e: {  	_ =	shalt  }
0x3f: {  	_ =	shalt  }
0x40: {  	_ =	shalt  }
0x41: {  	_ =	shalt  }
0x42: {  	_ =	shalt  }
0x43: {  	_ =	shalt  }
0x44: {  	_ =	shalt  }
0x45: {  	_ =	shalt  }
0x46: {  	_ =	shalt  }
0x47: {  	_ =	shalt  }
0x48: {  	_ =	shalt  }
0x49: {  	_ =	shalt  }
0x4a: {  	_ =	shalt  }
0x4b: {  	_ =	shalt  }
0x4c: {  	_ =	shalt  }
0x4d: {  	_ =	shalt  }
0x4e: {  	_ =	shalt  }
0x4f: {  	_ =	shalt  }
0x50: {  	_ =	shalt  }
0x51: {  	_ =	shalt  }
0x52: {  	_ =	shalt  }
0x53: {  	_ =	shalt  }
0x54: {  	_ =	shalt  }
0x55: {  	_ =	shalt  }
0x56: {  	_ =	shalt  }
0x57: {  	_ =	shalt  }
0x58: {  	_ =	shalt  }
0x59: {  	_ =	shalt  }
0x5a: {  	_ =	shalt  }
0x5b: {  	_ =	shalt  }
0x5c: {  	_ =	shalt  }
0x5d: {  	_ =	shalt  }
0x5e: {  	_ =	shalt  }
0x5f: {  	_ =	shalt  }
0x60: {  	_ =	shalt  }
0x61: {  	_ =	shalt  }
0x62: {  	_ =	shalt  }
0x63: {  	_ =	shalt  }
0x64: {  	_ =	shalt  }
0x65: {  	_ =	shalt  }
0x66: {  	_ =	shalt  }
0x67: {  	_ =	shalt  }
0x68: {  	_ =	shalt  }
0x69: {  	_ =	shalt  }
0x6a: {  	_ =	shalt  }
0x6b: {  	_ =	shalt  }
0x6c: {  	_ =	shalt  }
0x6d: {  	_ =	shalt  }
0x6e: {  	_ =	shalt  }
0x6f: {  	_ =	shalt  }
0x70: {  	_ =	shalt  }
0x71: {  	_ =	shalt  }
0x72: {  	_ =	shalt  }
0x73: {  	_ =	shalt  }
0x74: {  	_ =	shalt  }
0x75: {  	_ =	shalt  }
0x76: {  	_ =	shalt  }
0x77: {  	_ =	shalt  }
0x78: {  	_ =	shalt  }
0x79: {  	_ =	shalt  }
0x7a: {  	_ =	shalt  }
0x7b: {  	_ =	shalt  }
0x7c: {  	_ =	shalt  }
0x7d: {  	_ =	shalt  }
0x7e: {  	_ =	shalt  }
0x7f: {  	_ =	shalt  }
0x80: {  	_ =	shalt  }
0x81: {  	_ =	shalt  }
0x82: {  	_ =	shalt  }
0x83: {  	_ =	shalt  }
0x84: {  	_ =	shalt  }
0x85: {  	_ =	shalt  }
0x86: {  	_ =	shalt  }
0x87: {  	_ =	shalt  }
.Lfunc_end0:
.L_simem_size_0:
called_computation_lowered:
.L_overlay_start_0:
0x88: {  	s2 =	sld [smem:$0x3FD9]  }
0x89: {  	s3 =	sld [smem:$0x3FFE];
	_ =	sdelay $0x1  }
0x8a: {  	s1 =	srdreg.scid  }
0x8b: {  	s0 =	sand.u32 $0x1, s1  }
0x8c: {  	s17 =	sshll.u32 s0, $0xA;
	s2 =	sadd.s32 s3, s2  }
0x8d: {  	s2 =	sadd.s32 s2, s17  }
0x8e: {  	[smem:$0x3FC2] =	sst s2  }
0x8f: {  	_ = 	snop  }
0x90: {  	s2 =	sld [smem:$0x3FD0];
	(tm) =	ssettm $0x1  }
0x91: {  	s18 =	sld [smem:$0x3FFB];
	_ =	sdelay $0x3  }
0x92: {  	_ =	strace s18  }
0x93: {  	s3 =	sld [smem:$0x3FFC];
	_ =	sdelay $0x3  }
0x94: {  	_ =	strace s3  }
0x95: {  	s3 =	sld [smem:$0x3FFD];
	_ =	sdelay $0x3  }
0x96: {  	_ =	strace s3  }
0x97: {  	_ =	strace $0x8FFFFFFF  }
0x98: {  	s19 =	sld [smem:$0x3FDB];
	_ =	sdelay $0x1  }
0x99: {  	s4 =	simm.s32 $_scs_section_size  }
0x9a: {  	s5 =	simm.s32 $_size__tile_overlayer_lowered;
	s6 =	simm.s32 $_tile_overlayer_lowered  }
0x9b: {  	s22 =	simm.s32 $0x1BFF;
	s21 =	sshll.u32 s6, $0x1;
	s3 =	sadd.s32 s4, s19  }
0x9c: {  	s7 =	simm.s32 $0x0;
	s20 =	sshll.u32 s5, $0x1;
	s5 =	sadd.s32 s21, s3  }
0x9d: {  	[timem:s7], [sflag:s22] =	dma.local [hbm:s5], s20  }
0x9e: {  	_ =	swait.ge [sflag:s22], s20  }
0x9f: {  	s4 =	ssub.s32 $0x0, s20;
	[sflag:s22] =	ssyncset.done $0x0  }
0xa0: {  	[sflag:s22] =	ssyncadd.s32 s4;
	_ =	sdelay $0x1  }
0xa1: {  	s23 =	simm.s32 $0x1B8B  }
0xa2: {  	_ =	swait.ge [sflag:s23], $0x1  }
0xa3: {  	[sflag:s23] =	ssyncset.done $0x0  }
0xa4: {  	s25 =	simm.s32 $0x1B8E;
	s24 =	sld [smem:$0x3FFE];
	[sflag:s23] =	ssyncadd.s32 $0xFFFFFFFF  }
0xa5: {  	s26 =	simm.s32 $execute0_lowered;
	[smem:$0x3FD2] =	sst s25  }
0xa6: {  	s5 =	sshll.u32 s26, $0x1;
	_ =	strace $0x80000046;
	[dreg:$0x1] =	wrdreg $0xFFFFFFFF  }
0xa7: {  	s28 =	simm.s32 $_size_execute0_lowered;
	s3 =	sadd.s32 s3, s5;
	[dreg:$0x0] =	wrdreg $0x0  }
0xa8: {  	s5 =	sshll.u32 s28, $0x1;
	[dreg:$0x2] =	wrdreg s3  }
0xa9: {  	[dreg:$0x3] =	wrdreg s5  }
0xaa: {  	[dreg:$0x4] =	wrdreg $0xC0  }
0xab: {  	_ =	task [dreg:s7], $0x5FFFF  }
0xac: {  	[dreg:$0x1] =	wrdreg $0xFFFFFFFF  }
0xad: {  	[dreg:$0x0] =	wrdreg $0x60  }
0xae: {  	[dreg:$0x2] =	wrdreg s24  }
0xaf: {  	[dreg:$0x3] =	wrdreg s2  }
0xb0: {  	[dreg:$0x4] =	wrdreg $0x90000  }
0xb1: {  	[dreg:$0x5] =	wrdreg $0x9  }
0xb2: {  	_ =	task.clear_ibuf [dreg:s7], $0x6FFFF;
	_ =	strace $0x90000046  }
0xb3: {  	s29 =	simm.s32 $0x9;
	_ =	strace $0x80000048  }
0xb4: {  	_ =	swait.ge [sflag:s29], $0x1  }
0xb5: {  	[sflag:s29] =	ssyncadd.s32 $0xFFFFFFFF  }
0xb6: {  	_ =	strace $0x90000048  }
0xb7: {  	_ =	sfence  }
0xb8: {  	s30 =	sld [smem:$0x0];
	_ =	sdelay $0x2  }
0xb9: {  	s31 =	sshll.u32 s1, $0xD;
	s1 =	sshrl.u32 s1, $0x2  }
0xba: {  	s3 =	sand.u32 $0x4000, s31;
	s1 =	sadd.s32 s1, s30  }
0xbb: {  	s0 =	sor.u32 s3, s0;
	s1 =	sshll.u32 s1, $0x11  }
0xbc: {  	s0 =	sor.u32 s1, s0  }
0xbd: {  	s0 =	sadd.s32 $0x8F2B, s0  }
0xbe: {  	[sflag:s0] =	ssyncadd.remote.s32 $0x1  }
0xbf: {  	_ =	sfence.sel $0xFFFF  }
0xc0: {  	[dreg:$0x0] =	wrdreg $0xFFFFFFFF;
	(pc) =	sbr.abs _section_cstart, $3  }
0xc1: {  	[dreg:$0x1] =	wrdreg $0xFFFFFFFF  }
0xc2: {  	_ =	task.clear_ibuf [dreg:s7], $0x2FFFF;
	_ =	strace $0x9FFFFFFF  }
0xc3: {  	(tm) =	ssettm $0x7FFFFFFF  }
tec
execute0_lowered:
.L_overlay_start_1:
0x0: {  	(tag) =	ssettag $0x1  }
0x1: {  	s6 =	rddreg [dreg:$0x0]  }
0x2: {  	s2 =	rddreg [dreg:$0x1]  }
0x3: {  	s0 =	srdreg.scid;
	s3 =	rddreg [dreg:$0x2]  }
0x4: {  	s1 =	rddreg [dreg:$0x3];
	s7 =	sand.u32 $0x1, s0  }
0x5: {  	s4 =	simm.s32 $0x0;
	s0 =	stileid.u32;
	s5 =	smul.u32 $0x50000, s7  }
0x6: {  	s13 =	simm.s32 $0x80;
	s14 =	simm.s32 $0x100;
	s8 =	smul.u32 $0x5000, s0  }
0x7: {  	s15 =	simm.s32 $0x180;
	s16 =	simm.s32 $0x1;
	s26 =	smul.u32 $0x1400, s0  }
0x8: {  	s17 =	simm.s32 $0x0;
	[smem:$0x7FF] =	sst s4;
	s9 =	smul.u32 $0x14000, s7  }
0x9: {  	_ =	strace $0x80000047;
	s11 =	smul.u32 $0x28000, s0;
	s7 =	ssub.s32 $0x2, s7  }
0xa: {  	s31 =	sshll.u32 s0, $0x6;
	s28 =	sshrl.u32 s7, $0x1;
	s5 =	sadd.s32 s8, s5  }
0xb: {  	s8 =	sadd.s32 s26, s9;
	s29 =	sshrl.u32 s11, $0x2;
	s30 =	ssub.s32 s7, s28  }
0xc: {  	s9 =	simm.s32 $0x5000;
	s11 =	sor.u32 $0x1C02, s31;
	s5 =	sshrl.u32 s5, $0x3  }
0xd: {  	s8 =	sadd.s32 s8, s6;
	s12 =	sadd.s32 s29, s3;
	s10 =	sadd.s32 s5, s6  }
0xe: {  	s5 =	sadd.s32 $0x2A200, s6;
	s7 =	sadd.s32 $0x2B600, s8;
	s8 =	smax.u32 s30, $0x1  }
0xf: {  	s12 =	sshrl.u32 s12, $0x3;
	s6 =	sadd.s32 $0x2200, s10;
	s10 =	simm.s32 $0x2  }
.LBB2_1:
0x10: {  	[tilespmem:s9], [sflag:$0x2] =	stream.linear.gather [hbm4b:s2+s4], $0x4000, $0x38;
	[tilespmem:$0x13000] =	vst v63  }
0x11: {  	_ =	swait.ge [sflag:s10], $0x4000  }
0x12: {  	[sflag:s10] =	ssyncset.done $0x0  }
0x13: {  	[sflag:s10] =	ssyncadd.s32 $0xFFFFC000  }
0x14: {  	[spmem:s12], [sflag:s11] =	dma.local [hbm:s5], $0x1400  }
0x15: {  	_ =	swait.ge [sflag:s10], $0x1400  }
0x16: {  	[sflag:s10] =	ssyncset.done $0x0  }
0x17: {  	[sflag:s10] =	ssyncadd.s32 $0xFFFFEC00  }
0x18: {  	[bflag:$0x0] =	sbarrier.arrive $0xFFFF  }
0x19: {  	[tilespmem:s4], [sflag:$0x2] =	stream.linear.gather [hbm4b:s6+s4], $0x5000, $0x38;
	[tilespmem:$0x13000] =	vst v63  }
0x1a: {  	_ =	swait.ge [sflag:s10], $0x5000  }
0x1b: {  	[sflag:s10] =	ssyncset.done $0x0  }
0x1c: {  	[sflag:s10] =	ssyncadd.s32 $0xFFFFB000;
	(ifvalue) =	ssetifvalue $0xFFFFFFFF  }
0x1d: {  	[spmem:s3] =	stream.indirect.scatter.add.f32 [tilespmem:s9], [sflag:$0x1], $0x80, s4, s13, $0x40b8;
	[tilespmem:$0x13000] =	vst v63  }
0x1e: {  	(ifvalue) =	ssetifvalue $0xFFFFFFFF  }
0x1f: {  	[spmem:s3] =	stream.indirect.scatter.add.f32 [tilespmem:s9], [sflag:$0x1], $0x80, s13, s13, $0x40b8;
	[tilespmem:$0x13000] =	vst v63  }
0x20: {  	(ifvalue) =	ssetifvalue $0xFFFFFFFF  }
0x21: {  	[spmem:s3] =	stream.indirect.scatter.add.f32 [tilespmem:s9], [sflag:$0x1], $0x80, s14, s13, $0x40b8;
	[tilespmem:$0x13000] =	vst v63  }
0x22: {  	(ifvalue) =	ssetifvalue $0xFFFFFFFF  }
0x23: {  	[spmem:s3] =	stream.indirect.scatter.add.f32 [tilespmem:s9], [sflag:$0x1], $0x80, s15, s13, $0x40b8;
	[tilespmem:$0x13000] =	vst v63  }
0x24: {  	_ =	swait.ge [sflag:s16], $0x4000  }
0x25: {  	s18 =	simm.s32 $0xA00;
	[sflag:s16] =	ssyncset.done $0x0  }
0x26: {  	s19 =	simm.s32 $0x200;
	[sflag:s16] =	ssyncadd.s32 $0xFFFFC000;
	(ifvalue) =	ssetifvalue $0xFFFFFFFF  }
.LBB2_2:
0x27: {  	[spmem:s3] =	stream.indirect.scatter.add.f32 [tilespmem:s9], [sflag:$0x1], $0x80, s19, s13, $0x40b8;
	[tilespmem:$0x13000] =	vst v63  }
0x28: {  	s19 =	smov.u32 s18;
	p0 =	sne.s32 s18, $0x13E00  }
.Ltmp0:
0x29: {  	s18 =	sadd.s32 $0x200, s18;
	(pc) =	sbr.rel @p0 .LBB2_2-.Ltmp0, $4  }
0x2a: {  	_ =	swait.ge [sflag:s16], $0x4000  }
0x2b: {  	[sflag:s16] =	ssyncset.done $0x0  }
0x2c: {  	[sflag:s16] =	ssyncadd.s32 $0xFFFFC000  }
0x2d: {  	s19 =	sshra.s32 s19, $0x2;
	(ifvalue) =	ssetifvalue $0xFFFFFFFF  }
0x2e: {  	[spmem:s3] =	stream.indirect.scatter.add.f32 [tilespmem:s9], [sflag:$0x1], $0x80, s19, s13, $0x40b8;
	[tilespmem:$0x13000] =	vst v63  }
0x2f: {  	_ =	swait.ge [sflag:s16], $0x4000  }
0x30: {  	[sflag:s16] =	ssyncset.done $0x0  }
0x31: {  	[sflag:s16] =	ssyncadd.s32 $0xFFFFC000  }
0x32: {  	_ =	swait.ge [sflag:s16], $0x4000  }
0x33: {  	[sflag:s16] =	ssyncset.done $0x0  }
0x34: {  	[sflag:s16] =	ssyncadd.s32 $0xFFFFC000  }
0x35: {  	_ =	swait.ge [sflag:s16], $0x4000  }
0x36: {  	[sflag:s16] =	ssyncset.done $0x0  }
0x37: {  	[sflag:s16] =	ssyncadd.s32 $0xFFFFC000  }
0x38: {  	_ =	swait.ge [sflag:s16], $0x4000  }
0x39: {  	s17 =	sadd.s32 $0x1, s17;
	[sflag:s16] =	ssyncset.done $0x0  }
0x3a: {  	p0 =	sne.s32 s17, s8;
	[sflag:s16] =	ssyncadd.s32 $0xFFFFC000  }
.Ltmp1:
0x3b: {  	[bflag:$0x0] =	sbarrier.arrive $0xFFFF;
	(pc) =	sbr.rel @p0 .LBB2_1-.Ltmp1, $4  }
0x3c: {  	[hbm:s7], [sflag:s11] =	dma.local [spmem:s12], $0x1400  }
0x3d: {  	_ =	swait.ge [sflag:s10], $0x1400  }
0x3e: {  	[sflag:s10] =	ssyncset.done $0x0  }
0x3f: {  	[sflag:s10] =	ssyncadd.s32 $0xFFFFEC00  }
0x40: {  	_ =	sfence.sel $0x180000  }
0x41: {  	[bflag:$0x0] =	sbarrier.arrive $0xFFFF  }
0x42: {  	p0 =	sne.s32 s0, $0x0;
	_ =	strace $0x90000047  }
0x43: {  	s0 =	sadd.s32 @!p0 $0x100000, s1;
	[bflag:$0x2] =	sbarrier.arrive $0xFFFF  }
0x44: {  	[sflag:s0] =	ssyncadd.tile.s32 @!p0 $0x1;
	_ =	shalt  }
.Lfunc_end2:
_tile_overlayer_lowered:
.L_overlay_start_2:
0x45: {  	(tag) =	ssettag $0x2  }
0x46: {  	s0 =	rddreg [dreg:$0x0];
	s2 =	stileid.u32  }
0x47: {  	s1 =	rddreg [dreg:$0x1];
	p0 =	sne.s32 s2, $0x0  }
0x48: {  	s3 =	rddreg [dreg:$0x2];
	[bflag:$0x3] =	sbarrier.arrive $0xFFFF;
	s2 =	simm.s32 @!p0 $0x1C02  }
0x49: {  	[timem:s3], [sflag:s2] =	dma.local @!p0 [hbm:s0], s1  }
0x4a: {  	s0 =	simm.s32 @!p0 $0x2  }
0x4b: {  	_ =	swait.ge @!p0 [sflag:s0], s1  }
0x4c: {  	s1 =	ssub.s32 @!p0 $0x0, s1;
	[sflag:s0] =	ssyncset.done @!p0 $0x0  }
0x4d: {  	[sflag:s0] =	ssyncadd.s32 @!p0 s1  }
0x4e: {  	[bflag:$0x3] =	sbarrier.arrive $0xFFFF  }
0x4f: {  	_ =	shalt  }

</sc_bundles>
